<compile_context>
chip_gen: v7x
topology: tpu7x:2x2x1
jax: 0.10.2.dev20260603
libtpu: 0.0.44.dev20260713+nightly
codegen_flags: <defaults>
</compile_context>

<pallas_src>
import functools

import jax
import jax.numpy as jnp
from jax import lax
from jax.experimental import pallas as pl
from jax.experimental.pallas import tpu as pltpu
from jax.experimental.pallas import tpu_sc as plsc


@functools.lru_cache(maxsize=None)
def _build(B, D, V):
    info = plsc.get_sparse_core_info()
    NC, NS, L = info.num_cores, info.num_subcores, info.num_lanes
    NW = NC * NS
    assert B % (NW * L) == 0 and D % L == 0
    PER_W = B // NW
    MYV = PER_W // L
    ROWS = 32
    NBUF = 3
    NCH = PER_W // ROWS
    VPC = ROWS // L
    K = 8
    NB = B // (K * L)

    mesh = plsc.VectorSubcoreMesh(core_axis_name="c", subcore_axis_name="s")

    @functools.partial(
        pl.kernel,
        mesh=mesh,
        compiler_params=pltpu.CompilerParams(needs_layout_passes=False),
        out_type=jax.ShapeDtypeStruct((B, D), jnp.float32),
        scratch_types=[
            pltpu.VMEM((V,), jnp.int32),
            pltpu.VMEM((B,), jnp.int32),
            pltpu.VMEM((NCH, ROWS), jnp.int32),
            pltpu.VMEM((NBUF, ROWS, D), jnp.float32),
            pltpu.SemaphoreType.DMA,
        ],
    )
    def k(idx_hbm, val_hbm, out_hbm, t_ref, idx_v, j_ref, rows_v, sem_r):
        wid = lax.axis_index("s") * NC + lax.axis_index("c")
        base = wid * PER_W
        lanes = lax.iota(jnp.int32, L)
        pltpu.sync_copy(idx_hbm, idx_v)

        def batch(v, fix):
            off = pl.multiple_of(v * (K * L), K * L)
            vecs = [idx_v[pl.ds(off + k * L, L)] for k in range(K)]
            poss = [off + k * L + lanes for k in range(K)]
            if not fix:
                for kk in range(K):
                    plsc.store_scatter(t_ref, [vecs[kk]], poss[kk])
            gs = [plsc.load_gather(t_ref, [vecs[kk]]) for kk in range(K)]
            ms = [poss[kk] > gs[kk] for kk in range(K)]
            if fix:
                for kk in range(K):
                    plsc.store_scatter(t_ref, [vecs[kk]], poss[kk],
                                       mask=ms[kk])
            while len(ms) > 1:
                ms = [a | b for a, b in zip(ms[::2], ms[1::2])]
            return ms[0]

        acc = lax.fori_loop(
            0, NB, lambda v, a: a | batch(v, fix=False), lanes < 0)

        def fix_pass(_):
            return jnp.any(lax.fori_loop(
                0, NB, lambda v, a: a | batch(v, fix=True), lanes < 0))

        lax.while_loop(lambda d: d, fix_pass, jnp.any(acc))

        for u in range(MYV):
            vec = idx_v[pl.ds(base + u * L, L)]
            j = plsc.load_gather(t_ref, [vec])
            j_ref[u // VPC, pl.ds((u % VPC) * L, L)] = j

        def row_dma(c):
            return pltpu.async_copy(
                val_hbm.at[j_ref.at[c]], rows_v.at[c % NBUF], sem_r)

        handles = {}
        for c in range(min(NBUF - 1, NCH)):
            handles[c] = row_dma(c)
        for c in range(NCH):
            if c + NBUF - 1 < NCH:
                handles[c + NBUF - 1] = row_dma(c + NBUF - 1)
            handles[c].wait()
            pltpu.sync_copy(rows_v.at[c % NBUF],
                            out_hbm.at[pl.ds(base + c * ROWS, ROWS)])

    return k


def kernel(memory, node_idxs, values):
    B, D = values.shape
    V = memory.shape[0]
    return _build(B, D, V)(node_idxs, values)

# --- scband reference (transcript-rebuilt; emitter-appended) ---
"""Pipeline reference for scband-memory-module-31877247271272 (READ-ONLY COPY).

The authoritative reference and input builder live on the scoring server;
editing this copy changes nothing except your own understanding.
"""

import jax, jax.numpy as jnp
import numpy as np

N_NODE = 100000
HIDDEN_DIM = 128
BATCH = 16384


def setup_inputs(seed: int = 0) -> dict:
    key = jax.random.key(seed)
    k1, k2 = jax.random.split(key)
    node_idxs = jax.random.randint(k1, (BATCH,), 0, N_NODE, dtype=jnp.int32)
    values = jax.random.normal(k2, (BATCH, HIDDEN_DIM), dtype=jnp.float32)
    # learned/stateful buffers sized per init_kwargs (initialized to zeros as in create_memory)
    memory = jnp.zeros((N_NODE, HIDDEN_DIM), dtype=jnp.float32)
    return {"memory": memory, "node_idxs": node_idxs, "values": values}


def reference(memory, node_idxs, values):
    # set_memory: scatter-overwrite rows of the memory table at node_idxs
    mem = memory.at[node_idxs].set(values)
    # get_memory: gather the (just-updated) rows back out
    out = mem[node_idxs, :]
    return out

if __name__ == "__main__":
    import jax
    _d = setup_inputs()
    print(jax.jit(kernel)(*tuple(_d.values())))

</pallas_src>

<mosaic_0001>
#map = affine_map<(d0, d1) -> (0)>
#map1 = affine_map<(d0, d1) -> (0, 0)>
module attributes {stable_mosaic.version = 14 : i64} {
  func.func @k(%arg0: i32, %arg1: i32, %arg2: memref<16384xi32, #tpu.memory_space<hbm>>, %arg3: memref<16384x128xf32, #tpu.memory_space<hbm>>, %arg4: memref<16384x128xf32, #tpu.memory_space<hbm>>, %arg5: memref<100000xi32, #tpu.memory_space<vmem>>, %arg6: memref<16384xi32, #tpu.memory_space<vmem>>, %arg7: memref<16x32xi32, #tpu.memory_space<vmem>>, %arg8: memref<3x32x128xf32, #tpu.memory_space<vmem>>, %arg9: memref<!tpu.dma_semaphore, #tpu.memory_space<semaphore_mem>>) attributes {dimension_semantics = [#tpu.dimension_semantics<core_parallel>, #tpu.dimension_semantics<subcore_parallel>], iteration_bounds = array<i64: 2, 16>, scalar_prefetch = 0 : i64, scratch_operands = 5 : i64, tpu.core_type = #tpu.core_type<sc_vector_subcore>, window_params = [{transform_indices = #map}, {transform_indices = #map1}, {transform_indices = #map1}]} {
    %mul3A = arith.constant 2 : i32
    %mul3A_0 = arith.muli %arg1, %mul3A : i32
    %add3A = arith.addi %mul3A_0, %arg0 : i32
    %mul3A_1 = arith.constant 512 : i32
    %mul3A_2 = arith.muli %add3A, %mul3A_1 : i32
    %iota3A = tpu.iota {dimensions = array<i32: 0>} : vector<16xi32>
    "tpu.region"() ({
      %run_scoped3A_734 = tpu.sem_alloc : memref<!tpu.dma_semaphore, #tpu.memory_space<semaphore_mem>>
      tpu.enqueue_dma source(%arg2 : memref<16384xi32, #tpu.memory_space<hbm>>) target(%arg6 : memref<16384xi32, #tpu.memory_space<vmem>>) target_semaphore(%run_scoped3A_734 : memref<!tpu.dma_semaphore, #tpu.memory_space<semaphore_mem>>)
      tpu.wait_dma2 semaphore(%run_scoped3A_734 : memref<!tpu.dma_semaphore, #tpu.memory_space<semaphore_mem>>) src(%arg2 : memref<16384xi32, #tpu.memory_space<hbm>>) dst(%arg6 : memref<16384xi32, #tpu.memory_space<vmem>>)
      tpu.yield
    }) : () -> ()
    %lt3A = arith.constant 0 : i32
    %lt3A_3 = vector.broadcast %lt3A : i32 to vector<16xi32>
    %lt3A_4 = arith.cmpi slt, %iota3A, %lt3A_3 : vector<16xi32>
    %scan3A = arith.constant 0 : i32
    %scan3A_5 = arith.constant 128 : i32
    %scan3A_6 = arith.addi %scan3A, %scan3A_5 : i32
    %scan3A_7 = arith.constant 1 : i32
    %scan3A_8 = scf.for %scan3A_734 = %scan3A to %scan3A_6 step %scan3A_7 iter_args(%scan3A_735 = %lt3A_4) -> (vector<16xi1>)  : i32 {
      %mul3A_736 = arith.constant 128 : i32
      %mul3A_737 = arith.muli %scan3A_734, %mul3A_736 : i32
      %multiple_of3A = tpu.assume_multiple %mul3A_737, 128 : i32
      %add3A_738 = arith.constant 0 : i32
      %add3A_739 = arith.addi %multiple_of3A, %add3A_738 : i32
      %get3A_740 = arith.index_cast %add3A_739 : i32 to index
      %get3A_741 = tpu.vector_load %arg6[%get3A_740] {strides = array<i32>} : memref<16384xi32, #tpu.memory_space<vmem>>, vector<16xi32>,
      %add3A_742 = arith.constant 16 : i32
      %add3A_743 = arith.addi %multiple_of3A, %add3A_742 : i32
      %get3A_744 = arith.index_cast %add3A_743 : i32 to index
      %get3A_745 = tpu.vector_load %arg6[%get3A_744] {strides = array<i32>} : memref<16384xi32, #tpu.memory_space<vmem>>, vector<16xi32>,
      %add3A_746 = arith.constant 32 : i32
      %add3A_747 = arith.addi %multiple_of3A, %add3A_746 : i32
      %get3A_748 = arith.index_cast %add3A_747 : i32 to index
      %get3A_749 = tpu.vector_load %arg6[%get3A_748] {strides = array<i32>} : memref<16384xi32, #tpu.memory_space<vmem>>, vector<16xi32>,
      %add3A_750 = arith.constant 48 : i32
      %add3A_751 = arith.addi %multiple_of3A, %add3A_750 : i32
      %get3A_752 = arith.index_cast %add3A_751 : i32 to index
      %get3A_753 = tpu.vector_load %arg6[%get3A_752] {strides = array<i32>} : memref<16384xi32, #tpu.memory_space<vmem>>, vector<16xi32>,
      %add3A_754 = arith.constant 64 : i32
      %add3A_755 = arith.addi %multiple_of3A, %add3A_754 : i32
      %get3A_756 = arith.index_cast %add3A_755 : i32 to index
      %get3A_757 = tpu.vector_load %arg6[%get3A_756] {strides = array<i32>} : memref<16384xi32, #tpu.memory_space<vmem>>, vector<16xi32>,
      %add3A_758 = arith.constant 80 : i32
      %add3A_759 = arith.addi %multiple_of3A, %add3A_758 : i32
      %get3A_760 = arith.index_cast %add3A_759 : i32 to index
      %get3A_761 = tpu.vector_load %arg6[%get3A_760] {strides = array<i32>} : memref<16384xi32, #tpu.memory_space<vmem>>, vector<16xi32>,
      %add3A_762 = arith.constant 96 : i32
      %add3A_763 = arith.addi %multiple_of3A, %add3A_762 : i32
      %get3A_764 = arith.index_cast %add3A_763 : i32 to index
      %get3A_765 = tpu.vector_load %arg6[%get3A_764] {strides = array<i32>} : memref<16384xi32, #tpu.memory_space<vmem>>, vector<16xi32>,
      %add3A_766 = arith.constant 112 : i32
      %add3A_767 = arith.addi %multiple_of3A, %add3A_766 : i32
      %get3A_768 = arith.index_cast %add3A_767 : i32 to index
      %get3A_769 = tpu.vector_load %arg6[%get3A_768] {strides = array<i32>} : memref<16384xi32, #tpu.memory_space<vmem>>, vector<16xi32>,
      %add3A_770 = arith.constant 0 : i32
      %add3A_771 = arith.addi %multiple_of3A, %add3A_770 : i32
      %add3A_772 = vector.broadcast %add3A_771 : i32 to vector<16xi32>
      %add3A_773 = arith.addi %add3A_772, %iota3A : vector<16xi32>
      %add3A_774 = arith.constant 16 : i32
      %add3A_775 = arith.addi %multiple_of3A, %add3A_774 : i32
      %add3A_776 = vector.broadcast %add3A_775 : i32 to vector<16xi32>
      %add3A_777 = arith.addi %add3A_776, %iota3A : vector<16xi32>
      %add3A_778 = arith.constant 32 : i32
      %add3A_779 = arith.addi %multiple_of3A, %add3A_778 : i32
      %add3A_780 = vector.broadcast %add3A_779 : i32 to vector<16xi32>
      %add3A_781 = arith.addi %add3A_780, %iota3A : vector<16xi32>
      %add3A_782 = arith.constant 48 : i32
      %add3A_783 = arith.addi %multiple_of3A, %add3A_782 : i32
      %add3A_784 = vector.broadcast %add3A_783 : i32 to vector<16xi32>
      %add3A_785 = arith.addi %add3A_784, %iota3A : vector<16xi32>
      %add3A_786 = arith.constant 64 : i32
      %add3A_787 = arith.addi %multiple_of3A, %add3A_786 : i32
      %add3A_788 = vector.broadcast %add3A_787 : i32 to vector<16xi32>
      %add3A_789 = arith.addi %add3A_788, %iota3A : vector<16xi32>
      %add3A_790 = arith.constant 80 : i32
      %add3A_791 = arith.addi %multiple_of3A, %add3A_790 : i32
      %add3A_792 = vector.broadcast %add3A_791 : i32 to vector<16xi32>
      %add3A_793 = arith.addi %add3A_792, %iota3A : vector<16xi32>
      %add3A_794 = arith.constant 96 : i32
      %add3A_795 = arith.addi %multiple_of3A, %add3A_794 : i32
      %add3A_796 = vector.broadcast %add3A_795 : i32 to vector<16xi32>
      %add3A_797 = arith.addi %add3A_796, %iota3A : vector<16xi32>
      %add3A_798 = arith.constant 112 : i32
      %add3A_799 = arith.addi %multiple_of3A, %add3A_798 : i32
      %add3A_800 = vector.broadcast %add3A_799 : i32 to vector<16xi32>
      %add3A_801 = arith.addi %add3A_800, %iota3A : vector<16xi32>
      tpu.vector_store_idx %arg5[%get3A_741], %add3A_773 : memref<100000xi32, #tpu.memory_space<vmem>>[vector<16xi32>], vector<16xi32>,
      tpu.vector_store_idx %arg5[%get3A_745], %add3A_777 : memref<100000xi32, #tpu.memory_space<vmem>>[vector<16xi32>], vector<16xi32>,
      tpu.vector_store_idx %arg5[%get3A_749], %add3A_781 : memref<100000xi32, #tpu.memory_space<vmem>>[vector<16xi32>], vector<16xi32>,
      tpu.vector_store_idx %arg5[%get3A_753], %add3A_785 : memref<100000xi32, #tpu.memory_space<vmem>>[vector<16xi32>], vector<16xi32>,
      tpu.vector_store_idx %arg5[%get3A_757], %add3A_789 : memref<100000xi32, #tpu.memory_space<vmem>>[vector<16xi32>], vector<16xi32>,
      tpu.vector_store_idx %arg5[%get3A_761], %add3A_793 : memref<100000xi32, #tpu.memory_space<vmem>>[vector<16xi32>], vector<16xi32>,
      tpu.vector_store_idx %arg5[%get3A_765], %add3A_797 : memref<100000xi32, #tpu.memory_space<vmem>>[vector<16xi32>], vector<16xi32>,
      tpu.vector_store_idx %arg5[%get3A_769], %add3A_801 : memref<100000xi32, #tpu.memory_space<vmem>>[vector<16xi32>], vector<16xi32>,
      %gather3A_802 = tpu.vector_load_idx %arg5[%get3A_741] : memref<100000xi32, #tpu.memory_space<vmem>>[vector<16xi32>], vector<16xi32>,
      %gather3A_803 = tpu.vector_load_idx %arg5[%get3A_745] : memref<100000xi32, #tpu.memory_space<vmem>>[vector<16xi32>], vector<16xi32>,
      %gather3A_804 = tpu.vector_load_idx %arg5[%get3A_749] : memref<100000xi32, #tpu.memory_space<vmem>>[vector<16xi32>], vector<16xi32>,
      %gather3A_805 = tpu.vector_load_idx %arg5[%get3A_753] : memref<100000xi32, #tpu.memory_space<vmem>>[vector<16xi32>], vector<16xi32>,
      %gather3A_806 = tpu.vector_load_idx %arg5[%get3A_757] : memref<100000xi32, #tpu.memory_space<vmem>>[vector<16xi32>], vector<16xi32>,
      %gather3A_807 = tpu.vector_load_idx %arg5[%get3A_761] : memref<100000xi32, #tpu.memory_space<vmem>>[vector<16xi32>], vector<16xi32>,
      %gather3A_808 = tpu.vector_load_idx %arg5[%get3A_765] : memref<100000xi32, #tpu.memory_space<vmem>>[vector<16xi32>], vector<16xi32>,
      %gather3A_809 = tpu.vector_load_idx %arg5[%get3A_769] : memref<100000xi32, #tpu.memory_space<vmem>>[vector<16xi32>], vector<16xi32>,
      %gt3A = arith.cmpi sgt, %add3A_773, %gather3A_802 : vector<16xi32>
      %gt3A_810 = arith.cmpi sgt, %add3A_777, %gather3A_803 : vector<16xi32>
      %gt3A_811 = arith.cmpi sgt, %add3A_781, %gather3A_804 : vector<16xi32>
      %gt3A_812 = arith.cmpi sgt, %add3A_785, %gather3A_805 : vector<16xi32>
      %gt3A_813 = arith.cmpi sgt, %add3A_789, %gather3A_806 : vector<16xi32>
      %gt3A_814 = arith.cmpi sgt, %add3A_793, %gather3A_807 : vector<16xi32>
      %gt3A_815 = arith.cmpi sgt, %add3A_797, %gather3A_808 : vector<16xi32>
      %gt3A_816 = arith.cmpi sgt, %add3A_801, %gather3A_809 : vector<16xi32>
      %or3A = arith.ori %gt3A, %gt3A_810 : vector<16xi1>
      %or3A_817 = arith.ori %gt3A_811, %gt3A_812 : vector<16xi1>
      %or3A_818 = arith.ori %gt3A_813, %gt3A_814 : vector<16xi1>
      %or3A_819 = arith.ori %gt3A_815, %gt3A_816 : vector<16xi1>
      %or3A_820 = arith.ori %or3A, %or3A_817 : vector<16xi1>
      %or3A_821 = arith.ori %or3A_818, %or3A_819 : vector<16xi1>
      %or3A_822 = arith.ori %or3A_820, %or3A_821 : vector<16xi1>
      %or3A_823 = arith.ori %scan3A_735, %or3A_822 : vector<16xi1>
      scf.yield %or3A_823 : vector<16xi1>
    }
    %scan3A_9 = arith.constant 128 : i32
    %reduce_or3A = arith.constant 1.000000e+00 : f32
    %reduce_or3A_10 = arith.constant 0.000000e+00 : f32
    %reduce_or3A_11 = vector.broadcast %reduce_or3A : f32 to vector<16xf32>
    %reduce_or3A_12 = vector.broadcast %reduce_or3A_10 : f32 to vector<16xf32>
    %reduce_or3A_13 = arith.select %scan3A_8, %reduce_or3A_11, %reduce_or3A_12 : vector<16xi1>, vector<16xf32>
    %reduce_or3A_14 = arith.constant true
    %reduce_or3A_15 = vector.broadcast %reduce_or3A_14 : i1 to vector<16xi1>
    %reduce_or3A_16 = tpu.scan <max>, %reduce_or3A_13 masked %reduce_or3A_15 : vector<16xf32>, vector<16xi1> -> vector<16xf32>
    %reduce_or3A_17 = vector.extract %reduce_or3A_16[15] : f32 from vector<16xf32>
    %reduce_or3A_18 = arith.constant 0.000000e+00 : f32
    %reduce_or3A_19 = arith.cmpf ogt, %reduce_or3A_17, %reduce_or3A_18 : f32
    %while3A = scf.while (%while3A_734 = %reduce_or3A_19) : (i1) -> i1 {
      scf.condition(%while3A_734) %while3A_734 : i1
    } do {
    ^bb0(%while3A_734: i1):
      %lt3A_735 = arith.constant 0 : i32
      %lt3A_736 = vector.broadcast %lt3A_735 : i32 to vector<16xi32>
      %lt3A_737 = arith.cmpi slt, %iota3A, %lt3A_736 : vector<16xi32>
      %scan3A_738 = arith.constant 0 : i32
      %scan3A_739 = arith.constant 128 : i32
      %scan3A_740 = arith.addi %scan3A_738, %scan3A_739 : i32
      %scan3A_741 = arith.constant 1 : i32
      %scan3A_742 = scf.for %scan3A_755 = %scan3A_738 to %scan3A_740 step %scan3A_741 iter_args(%scan3A_756 = %lt3A_737) -> (vector<16xi1>)  : i32 {
        %mul3A_757 = arith.constant 128 : i32
        %mul3A_758 = arith.muli %scan3A_755, %mul3A_757 : i32
        %multiple_of3A = tpu.assume_multiple %mul3A_758, 128 : i32
        %add3A_759 = arith.constant 0 : i32
        %add3A_760 = arith.addi %multiple_of3A, %add3A_759 : i32
        %get3A_761 = arith.index_cast %add3A_760 : i32 to index
        %get3A_762 = tpu.vector_load %arg6[%get3A_761] {strides = array<i32>} : memref<16384xi32, #tpu.memory_space<vmem>>, vector<16xi32>,
        %add3A_763 = arith.constant 16 : i32
        %add3A_764 = arith.addi %multiple_of3A, %add3A_763 : i32
        %get3A_765 = arith.index_cast %add3A_764 : i32 to index
        %get3A_766 = tpu.vector_load %arg6[%get3A_765] {strides = array<i32>} : memref<16384xi32, #tpu.memory_space<vmem>>, vector<16xi32>,
        %add3A_767 = arith.constant 32 : i32
        %add3A_768 = arith.addi %multiple_of3A, %add3A_767 : i32
        %get3A_769 = arith.index_cast %add3A_768 : i32 to index
        %get3A_770 = tpu.vector_load %arg6[%get3A_769] {strides = array<i32>} : memref<16384xi32, #tpu.memory_space<vmem>>, vector<16xi32>,
        %add3A_771 = arith.constant 48 : i32
        %add3A_772 = arith.addi %multiple_of3A, %add3A_771 : i32
        %get3A_773 = arith.index_cast %add3A_772 : i32 to index
        %get3A_774 = tpu.vector_load %arg6[%get3A_773] {strides = array<i32>} : memref<16384xi32, #tpu.memory_space<vmem>>, vector<16xi32>,
        %add3A_775 = arith.constant 64 : i32
        %add3A_776 = arith.addi %multiple_of3A, %add3A_775 : i32
        %get3A_777 = arith.index_cast %add3A_776 : i32 to index
        %get3A_778 = tpu.vector_load %arg6[%get3A_777] {strides = array<i32>} : memref<16384xi32, #tpu.memory_space<vmem>>, vector<16xi32>,
        %add3A_779 = arith.constant 80 : i32
        %add3A_780 = arith.addi %multiple_of3A, %add3A_779 : i32
        %get3A_781 = arith.index_cast %add3A_780 : i32 to index
        %get3A_782 = tpu.vector_load %arg6[%get3A_781] {strides = array<i32>} : memref<16384xi32, #tpu.memory_space<vmem>>, vector<16xi32>,
        %add3A_783 = arith.constant 96 : i32
        %add3A_784 = arith.addi %multiple_of3A, %add3A_783 : i32
        %get3A_785 = arith.index_cast %add3A_784 : i32 to index
        %get3A_786 = tpu.vector_load %arg6[%get3A_785] {strides = array<i32>} : memref<16384xi32, #tpu.memory_space<vmem>>, vector<16xi32>,
        %add3A_787 = arith.constant 112 : i32
        %add3A_788 = arith.addi %multiple_of3A, %add3A_787 : i32
        %get3A_789 = arith.index_cast %add3A_788 : i32 to index
        %get3A_790 = tpu.vector_load %arg6[%get3A_789] {strides = array<i32>} : memref<16384xi32, #tpu.memory_space<vmem>>, vector<16xi32>,
        %add3A_791 = arith.constant 0 : i32
        %add3A_792 = arith.addi %multiple_of3A, %add3A_791 : i32
        %add3A_793 = vector.broadcast %add3A_792 : i32 to vector<16xi32>
        %add3A_794 = arith.addi %add3A_793, %iota3A : vector<16xi32>
        %add3A_795 = arith.constant 16 : i32
        %add3A_796 = arith.addi %multiple_of3A, %add3A_795 : i32
        %add3A_797 = vector.broadcast %add3A_796 : i32 to vector<16xi32>
        %add3A_798 = arith.addi %add3A_797, %iota3A : vector<16xi32>
        %add3A_799 = arith.constant 32 : i32
        %add3A_800 = arith.addi %multiple_of3A, %add3A_799 : i32
        %add3A_801 = vector.broadcast %add3A_800 : i32 to vector<16xi32>
        %add3A_802 = arith.addi %add3A_801, %iota3A : vector<16xi32>
        %add3A_803 = arith.constant 48 : i32
        %add3A_804 = arith.addi %multiple_of3A, %add3A_803 : i32
        %add3A_805 = vector.broadcast %add3A_804 : i32 to vector<16xi32>
        %add3A_806 = arith.addi %add3A_805, %iota3A : vector<16xi32>
        %add3A_807 = arith.constant 64 : i32
        %add3A_808 = arith.addi %multiple_of3A, %add3A_807 : i32
        %add3A_809 = vector.broadcast %add3A_808 : i32 to vector<16xi32>
        %add3A_810 = arith.addi %add3A_809, %iota3A : vector<16xi32>
        %add3A_811 = arith.constant 80 : i32
        %add3A_812 = arith.addi %multiple_of3A, %add3A_811 : i32
        %add3A_813 = vector.broadcast %add3A_812 : i32 to vector<16xi32>
        %add3A_814 = arith.addi %add3A_813, %iota3A : vector<16xi32>
        %add3A_815 = arith.constant 96 : i32
        %add3A_816 = arith.addi %multiple_of3A, %add3A_815 : i32
        %add3A_817 = vector.broadcast %add3A_816 : i32 to vector<16xi32>
        %add3A_818 = arith.addi %add3A_817, %iota3A : vector<16xi32>
        %add3A_819 = arith.constant 112 : i32
        %add3A_820 = arith.addi %multiple_of3A, %add3A_819 : i32
        %add3A_821 = vector.broadcast %add3A_820 : i32 to vector<16xi32>
        %add3A_822 = arith.addi %add3A_821, %iota3A : vector<16xi32>
        %gather3A_823 = tpu.vector_load_idx %arg5[%get3A_762] : memref<100000xi32, #tpu.memory_space<vmem>>[vector<16xi32>], vector<16xi32>,
        %gather3A_824 = tpu.vector_load_idx %arg5[%get3A_766] : memref<100000xi32, #tpu.memory_space<vmem>>[vector<16xi32>], vector<16xi32>,
        %gather3A_825 = tpu.vector_load_idx %arg5[%get3A_770] : memref<100000xi32, #tpu.memory_space<vmem>>[vector<16xi32>], vector<16xi32>,
        %gather3A_826 = tpu.vector_load_idx %arg5[%get3A_774] : memref<100000xi32, #tpu.memory_space<vmem>>[vector<16xi32>], vector<16xi32>,
        %gather3A_827 = tpu.vector_load_idx %arg5[%get3A_778] : memref<100000xi32, #tpu.memory_space<vmem>>[vector<16xi32>], vector<16xi32>,
        %gather3A_828 = tpu.vector_load_idx %arg5[%get3A_782] : memref<100000xi32, #tpu.memory_space<vmem>>[vector<16xi32>], vector<16xi32>,
        %gather3A_829 = tpu.vector_load_idx %arg5[%get3A_786] : memref<100000xi32, #tpu.memory_space<vmem>>[vector<16xi32>], vector<16xi32>,
        %gather3A_830 = tpu.vector_load_idx %arg5[%get3A_790] : memref<100000xi32, #tpu.memory_space<vmem>>[vector<16xi32>], vector<16xi32>,
        %gt3A = arith.cmpi sgt, %add3A_794, %gather3A_823 : vector<16xi32>
        %gt3A_831 = arith.cmpi sgt, %add3A_798, %gather3A_824 : vector<16xi32>
        %gt3A_832 = arith.cmpi sgt, %add3A_802, %gather3A_825 : vector<16xi32>
        %gt3A_833 = arith.cmpi sgt, %add3A_806, %gather3A_826 : vector<16xi32>
        %gt3A_834 = arith.cmpi sgt, %add3A_810, %gather3A_827 : vector<16xi32>
        %gt3A_835 = arith.cmpi sgt, %add3A_814, %gather3A_828 : vector<16xi32>
        %gt3A_836 = arith.cmpi sgt, %add3A_818, %gather3A_829 : vector<16xi32>
        %gt3A_837 = arith.cmpi sgt, %add3A_822, %gather3A_830 : vector<16xi32>
        tpu.vector_store_idx %arg5[%get3A_762], %add3A_794 masked %gt3A : memref<100000xi32, #tpu.memory_space<vmem>>[vector<16xi32>], vector<16xi32>, vector<16xi1>
        tpu.vector_store_idx %arg5[%get3A_766], %add3A_798 masked %gt3A_831 : memref<100000xi32, #tpu.memory_space<vmem>>[vector<16xi32>], vector<16xi32>, vector<16xi1>
        tpu.vector_store_idx %arg5[%get3A_770], %add3A_802 masked %gt3A_832 : memref<100000xi32, #tpu.memory_space<vmem>>[vector<16xi32>], vector<16xi32>, vector<16xi1>
        tpu.vector_store_idx %arg5[%get3A_774], %add3A_806 masked %gt3A_833 : memref<100000xi32, #tpu.memory_space<vmem>>[vector<16xi32>], vector<16xi32>, vector<16xi1>
        tpu.vector_store_idx %arg5[%get3A_778], %add3A_810 masked %gt3A_834 : memref<100000xi32, #tpu.memory_space<vmem>>[vector<16xi32>], vector<16xi32>, vector<16xi1>
        tpu.vector_store_idx %arg5[%get3A_782], %add3A_814 masked %gt3A_835 : memref<100000xi32, #tpu.memory_space<vmem>>[vector<16xi32>], vector<16xi32>, vector<16xi1>
        tpu.vector_store_idx %arg5[%get3A_786], %add3A_818 masked %gt3A_836 : memref<100000xi32, #tpu.memory_space<vmem>>[vector<16xi32>], vector<16xi32>, vector<16xi1>
        tpu.vector_store_idx %arg5[%get3A_790], %add3A_822 masked %gt3A_837 : memref<100000xi32, #tpu.memory_space<vmem>>[vector<16xi32>], vector<16xi32>, vector<16xi1>
        %or3A = arith.ori %gt3A, %gt3A_831 : vector<16xi1>
        %or3A_838 = arith.ori %gt3A_832, %gt3A_833 : vector<16xi1>
        %or3A_839 = arith.ori %gt3A_834, %gt3A_835 : vector<16xi1>
        %or3A_840 = arith.ori %gt3A_836, %gt3A_837 : vector<16xi1>
        %or3A_841 = arith.ori %or3A, %or3A_838 : vector<16xi1>
        %or3A_842 = arith.ori %or3A_839, %or3A_840 : vector<16xi1>
        %or3A_843 = arith.ori %or3A_841, %or3A_842 : vector<16xi1>
        %or3A_844 = arith.ori %scan3A_756, %or3A_843 : vector<16xi1>
        scf.yield %or3A_844 : vector<16xi1>
      }
      %scan3A_743 = arith.constant 128 : i32
      %reduce_or3A_744 = arith.constant 1.000000e+00 : f32
      %reduce_or3A_745 = arith.constant 0.000000e+00 : f32
      %reduce_or3A_746 = vector.broadcast %reduce_or3A_744 : f32 to vector<16xf32>
      %reduce_or3A_747 = vector.broadcast %reduce_or3A_745 : f32 to vector<16xf32>
      %reduce_or3A_748 = arith.select %scan3A_742, %reduce_or3A_746, %reduce_or3A_747 : vector<16xi1>, vector<16xf32>
      %reduce_or3A_749 = arith.constant true
      %reduce_or3A_750 = vector.broadcast %reduce_or3A_749 : i1 to vector<16xi1>
      %reduce_or3A_751 = tpu.scan <max>, %reduce_or3A_748 masked %reduce_or3A_750 : vector<16xf32>, vector<16xi1> -> vector<16xf32>
      %reduce_or3A_752 = vector.extract %reduce_or3A_751[15] : f32 from vector<16xf32>
      %reduce_or3A_753 = arith.constant 0.000000e+00 : f32
      %reduce_or3A_754 = arith.cmpf ogt, %reduce_or3A_752, %reduce_or3A_753 : f32
      scf.yield %reduce_or3A_754 : i1
    }
    %add3A_20 = arith.constant 0 : i32
    %add3A_21 = arith.addi %mul3A_2, %add3A_20 : i32
    %get3A = arith.index_cast %add3A_21 : i32 to index
    %get3A_22 = tpu.vector_load %arg6[%get3A] {strides = array<i32>} : memref<16384xi32, #tpu.memory_space<vmem>>, vector<16xi32>,
    %gather3A = tpu.vector_load_idx %arg5[%get3A_22] : memref<100000xi32, #tpu.memory_space<vmem>>[vector<16xi32>], vector<16xi32>,
    %swap3A = arith.constant 0 : i32
    %swap3A_23 = arith.index_cast %swap3A : i32 to index
    %swap3A_24 = arith.constant 0 : index
    %swap3A_25 = tpu.vector_load %arg7[%swap3A_23, %swap3A_24] {strides = array<i32>} : memref<16x32xi32, #tpu.memory_space<vmem>>, vector<16xi32>,
    tpu.vector_store %arg7[%swap3A_23, %swap3A_24], %gather3A {strides = array<i32>} : memref<16x32xi32, #tpu.memory_space<vmem>>, vector<16xi32>,
    %add3A_26 = arith.constant 16 : i32
    %add3A_27 = arith.addi %mul3A_2, %add3A_26 : i32
    %get3A_28 = arith.index_cast %add3A_27 : i32 to index
    %get3A_29 = tpu.vector_load %arg6[%get3A_28] {strides = array<i32>} : memref<16384xi32, #tpu.memory_space<vmem>>, vector<16xi32>,
    %gather3A_30 = tpu.vector_load_idx %arg5[%get3A_29] : memref<100000xi32, #tpu.memory_space<vmem>>[vector<16xi32>], vector<16xi32>,
    %swap3A_31 = arith.constant 0 : i32
    %swap3A_32 = arith.index_cast %swap3A_31 : i32 to index
    %swap3A_33 = arith.constant 16 : index
    %swap3A_34 = tpu.vector_load %arg7[%swap3A_32, %swap3A_33] {strides = array<i32>} : memref<16x32xi32, #tpu.memory_space<vmem>>, vector<16xi32>,
    tpu.vector_store %arg7[%swap3A_32, %swap3A_33], %gather3A_30 {strides = array<i32>} : memref<16x32xi32, #tpu.memory_space<vmem>>, vector<16xi32>,
    %add3A_35 = arith.constant 32 : i32
    %add3A_36 = arith.addi %mul3A_2, %add3A_35 : i32
    %get3A_37 = arith.index_cast %add3A_36 : i32 to index
    %get3A_38 = tpu.vector_load %arg6[%get3A_37] {strides = array<i32>} : memref<16384xi32, #tpu.memory_space<vmem>>, vector<16xi32>,
    %gather3A_39 = tpu.vector_load_idx %arg5[%get3A_38] : memref<100000xi32, #tpu.memory_space<vmem>>[vector<16xi32>], vector<16xi32>,
    %swap3A_40 = arith.constant 1 : i32
    %swap3A_41 = arith.index_cast %swap3A_40 : i32 to index
    %swap3A_42 = arith.constant 0 : index
    %swap3A_43 = tpu.vector_load %arg7[%swap3A_41, %swap3A_42] {strides = array<i32>} : memref<16x32xi32, #tpu.memory_space<vmem>>, vector<16xi32>,
    tpu.vector_store %arg7[%swap3A_41, %swap3A_42], %gather3A_39 {strides = array<i32>} : memref<16x32xi32, #tpu.memory_space<vmem>>, vector<16xi32>,
    %add3A_44 = arith.constant 48 : i32
    %add3A_45 = arith.addi %mul3A_2, %add3A_44 : i32
    %get3A_46 = arith.index_cast %add3A_45 : i32 to index
    %get3A_47 = tpu.vector_load %arg6[%get3A_46] {strides = array<i32>} : memref<16384xi32, #tpu.memory_space<vmem>>, vector<16xi32>,
    %gather3A_48 = tpu.vector_load_idx %arg5[%get3A_47] : memref<100000xi32, #tpu.memory_space<vmem>>[vector<16xi32>], vector<16xi32>,
    %swap3A_49 = arith.constant 1 : i32
    %swap3A_50 = arith.index_cast %swap3A_49 : i32 to index
    %swap3A_51 = arith.constant 16 : index
    %swap3A_52 = tpu.vector_load %arg7[%swap3A_50, %swap3A_51] {strides = array<i32>} : memref<16x32xi32, #tpu.memory_space<vmem>>, vector<16xi32>,
    tpu.vector_store %arg7[%swap3A_50, %swap3A_51], %gather3A_48 {strides = array<i32>} : memref<16x32xi32, #tpu.memory_space<vmem>>, vector<16xi32>,
    %add3A_53 = arith.constant 64 : i32
    %add3A_54 = arith.addi %mul3A_2, %add3A_53 : i32
    %get3A_55 = arith.index_cast %add3A_54 : i32 to index
    %get3A_56 = tpu.vector_load %arg6[%get3A_55] {strides = array<i32>} : memref<16384xi32, #tpu.memory_space<vmem>>, vector<16xi32>,
    %gather3A_57 = tpu.vector_load_idx %arg5[%get3A_56] : memref<100000xi32, #tpu.memory_space<vmem>>[vector<16xi32>], vector<16xi32>,
    %swap3A_58 = arith.constant 2 : i32
    %swap3A_59 = arith.index_cast %swap3A_58 : i32 to index
    %swap3A_60 = arith.constant 0 : index
    %swap3A_61 = tpu.vector_load %arg7[%swap3A_59, %swap3A_60] {strides = array<i32>} : memref<16x32xi32, #tpu.memory_space<vmem>>, vector<16xi32>,
    tpu.vector_store %arg7[%swap3A_59, %swap3A_60], %gather3A_57 {strides = array<i32>} : memref<16x32xi32, #tpu.memory_space<vmem>>, vector<16xi32>,
    %add3A_62 = arith.constant 80 : i32
    %add3A_63 = arith.addi %mul3A_2, %add3A_62 : i32
    %get3A_64 = arith.index_cast %add3A_63 : i32 to index
    %get3A_65 = tpu.vector_load %arg6[%get3A_64] {strides = array<i32>} : memref<16384xi32, #tpu.memory_space<vmem>>, vector<16xi32>,
    %gather3A_66 = tpu.vector_load_idx %arg5[%get3A_65] : memref<100000xi32, #tpu.memory_space<vmem>>[vector<16xi32>], vector<16xi32>,
    %swap3A_67 = arith.constant 2 : i32
    %swap3A_68 = arith.index_cast %swap3A_67 : i32 to index
    %swap3A_69 = arith.constant 16 : index
    %swap3A_70 = tpu.vector_load %arg7[%swap3A_68, %swap3A_69] {strides = array<i32>} : memref<16x32xi32, #tpu.memory_space<vmem>>, vector<16xi32>,
    tpu.vector_store %arg7[%swap3A_68, %swap3A_69], %gather3A_66 {strides = array<i32>} : memref<16x32xi32, #tpu.memory_space<vmem>>, vector<16xi32>,
    %add3A_71 = arith.constant 96 : i32
    %add3A_72 = arith.addi %mul3A_2, %add3A_71 : i32
    %get3A_73 = arith.index_cast %add3A_72 : i32 to index
    %get3A_74 = tpu.vector_load %arg6[%get3A_73] {strides = array<i32>} : memref<16384xi32, #tpu.memory_space<vmem>>, vector<16xi32>,
    %gather3A_75 = tpu.vector_load_idx %arg5[%get3A_74] : memref<100000xi32, #tpu.memory_space<vmem>>[vector<16xi32>], vector<16xi32>,
    %swap3A_76 = arith.constant 3 : i32
    %swap3A_77 = arith.index_cast %swap3A_76 : i32 to index
    %swap3A_78 = arith.constant 0 : index
    %swap3A_79 = tpu.vector_load %arg7[%swap3A_77, %swap3A_78] {strides = array<i32>} : memref<16x32xi32, #tpu.memory_space<vmem>>, vector<16xi32>,
    tpu.vector_store %arg7[%swap3A_77, %swap3A_78], %gather3A_75 {strides = array<i32>} : memref<16x32xi32, #tpu.memory_space<vmem>>, vector<16xi32>,
    %add3A_80 = arith.constant 112 : i32
    %add3A_81 = arith.addi %mul3A_2, %add3A_80 : i32
    %get3A_82 = arith.index_cast %add3A_81 : i32 to index
    %get3A_83 = tpu.vector_load %arg6[%get3A_82] {strides = array<i32>} : memref<16384xi32, #tpu.memory_space<vmem>>, vector<16xi32>,
    %gather3A_84 = tpu.vector_load_idx %arg5[%get3A_83] : memref<100000xi32, #tpu.memory_space<vmem>>[vector<16xi32>], vector<16xi32>,
    %swap3A_85 = arith.constant 3 : i32
    %swap3A_86 = arith.index_cast %swap3A_85 : i32 to index
    %swap3A_87 = arith.constant 16 : index
    %swap3A_88 = tpu.vector_load %arg7[%swap3A_86, %swap3A_87] {strides = array<i32>} : memref<16x32xi32, #tpu.memory_space<vmem>>, vector<16xi32>,
    tpu.vector_store %arg7[%swap3A_86, %swap3A_87], %gather3A_84 {strides = array<i32>} : memref<16x32xi32, #tpu.memory_space<vmem>>, vector<16xi32>,
    %add3A_89 = arith.constant 128 : i32
    %add3A_90 = arith.addi %mul3A_2, %add3A_89 : i32
    %get3A_91 = arith.index_cast %add3A_90 : i32 to index
    %get3A_92 = tpu.vector_load %arg6[%get3A_91] {strides = array<i32>} : memref<16384xi32, #tpu.memory_space<vmem>>, vector<16xi32>,
    %gather3A_93 = tpu.vector_load_idx %arg5[%get3A_92] : memref<100000xi32, #tpu.memory_space<vmem>>[vector<16xi32>], vector<16xi32>,
    %swap3A_94 = arith.constant 4 : i32
    %swap3A_95 = arith.index_cast %swap3A_94 : i32 to index
    %swap3A_96 = arith.constant 0 : index
    %swap3A_97 = tpu.vector_load %arg7[%swap3A_95, %swap3A_96] {strides = array<i32>} : memref<16x32xi32, #tpu.memory_space<vmem>>, vector<16xi32>,
    tpu.vector_store %arg7[%swap3A_95, %swap3A_96], %gather3A_93 {strides = array<i32>} : memref<16x32xi32, #tpu.memory_space<vmem>>, vector<16xi32>,
    %add3A_98 = arith.constant 144 : i32
    %add3A_99 = arith.addi %mul3A_2, %add3A_98 : i32
    %get3A_100 = arith.index_cast %add3A_99 : i32 to index
    %get3A_101 = tpu.vector_load %arg6[%get3A_100] {strides = array<i32>} : memref<16384xi32, #tpu.memory_space<vmem>>, vector<16xi32>,
    %gather3A_102 = tpu.vector_load_idx %arg5[%get3A_101] : memref<100000xi32, #tpu.memory_space<vmem>>[vector<16xi32>], vector<16xi32>,
    %swap3A_103 = arith.constant 4 : i32
    %swap3A_104 = arith.index_cast %swap3A_103 : i32 to index
    %swap3A_105 = arith.constant 16 : index
    %swap3A_106 = tpu.vector_load %arg7[%swap3A_104, %swap3A_105] {strides = array<i32>} : memref<16x32xi32, #tpu.memory_space<vmem>>, vector<16xi32>,
    tpu.vector_store %arg7[%swap3A_104, %swap3A_105], %gather3A_102 {strides = array<i32>} : memref<16x32xi32, #tpu.memory_space<vmem>>, vector<16xi32>,
    %add3A_107 = arith.constant 160 : i32
    %add3A_108 = arith.addi %mul3A_2, %add3A_107 : i32
    %get3A_109 = arith.index_cast %add3A_108 : i32 to index
    %get3A_110 = tpu.vector_load %arg6[%get3A_109] {strides = array<i32>} : memref<16384xi32, #tpu.memory_space<vmem>>, vector<16xi32>,
    %gather3A_111 = tpu.vector_load_idx %arg5[%get3A_110] : memref<100000xi32, #tpu.memory_space<vmem>>[vector<16xi32>], vector<16xi32>,
    %swap3A_112 = arith.constant 5 : i32
    %swap3A_113 = arith.index_cast %swap3A_112 : i32 to index
    %swap3A_114 = arith.constant 0 : index
    %swap3A_115 = tpu.vector_load %arg7[%swap3A_113, %swap3A_114] {strides = array<i32>} : memref<16x32xi32, #tpu.memory_space<vmem>>, vector<16xi32>,
    tpu.vector_store %arg7[%swap3A_113, %swap3A_114], %gather3A_111 {strides = array<i32>} : memref<16x32xi32, #tpu.memory_space<vmem>>, vector<16xi32>,
    %add3A_116 = arith.constant 176 : i32
    %add3A_117 = arith.addi %mul3A_2, %add3A_116 : i32
    %get3A_118 = arith.index_cast %add3A_117 : i32 to index
    %get3A_119 = tpu.vector_load %arg6[%get3A_118] {strides = array<i32>} : memref<16384xi32, #tpu.memory_space<vmem>>, vector<16xi32>,
    %gather3A_120 = tpu.vector_load_idx %arg5[%get3A_119] : memref<100000xi32, #tpu.memory_space<vmem>>[vector<16xi32>], vector<16xi32>,
    %swap3A_121 = arith.constant 5 : i32
    %swap3A_122 = arith.index_cast %swap3A_121 : i32 to index
    %swap3A_123 = arith.constant 16 : index
    %swap3A_124 = tpu.vector_load %arg7[%swap3A_122, %swap3A_123] {strides = array<i32>} : memref<16x32xi32, #tpu.memory_space<vmem>>, vector<16xi32>,
    tpu.vector_store %arg7[%swap3A_122, %swap3A_123], %gather3A_120 {strides = array<i32>} : memref<16x32xi32, #tpu.memory_space<vmem>>, vector<16xi32>,
    %add3A_125 = arith.constant 192 : i32
    %add3A_126 = arith.addi %mul3A_2, %add3A_125 : i32
    %get3A_127 = arith.index_cast %add3A_126 : i32 to index
    %get3A_128 = tpu.vector_load %arg6[%get3A_127] {strides = array<i32>} : memref<16384xi32, #tpu.memory_space<vmem>>, vector<16xi32>,
    %gather3A_129 = tpu.vector_load_idx %arg5[%get3A_128] : memref<100000xi32, #tpu.memory_space<vmem>>[vector<16xi32>], vector<16xi32>,
    %swap3A_130 = arith.constant 6 : i32
    %swap3A_131 = arith.index_cast %swap3A_130 : i32 to index
    %swap3A_132 = arith.constant 0 : index
    %swap3A_133 = tpu.vector_load %arg7[%swap3A_131, %swap3A_132] {strides = array<i32>} : memref<16x32xi32, #tpu.memory_space<vmem>>, vector<16xi32>,
    tpu.vector_store %arg7[%swap3A_131, %swap3A_132], %gather3A_129 {strides = array<i32>} : memref<16x32xi32, #tpu.memory_space<vmem>>, vector<16xi32>,
    %add3A_134 = arith.constant 208 : i32
    %add3A_135 = arith.addi %mul3A_2, %add3A_134 : i32
    %get3A_136 = arith.index_cast %add3A_135 : i32 to index
    %get3A_137 = tpu.vector_load %arg6[%get3A_136] {strides = array<i32>} : memref<16384xi32, #tpu.memory_space<vmem>>, vector<16xi32>,
    %gather3A_138 = tpu.vector_load_idx %arg5[%get3A_137] : memref<100000xi32, #tpu.memory_space<vmem>>[vector<16xi32>], vector<16xi32>,
    %swap3A_139 = arith.constant 6 : i32
    %swap3A_140 = arith.index_cast %swap3A_139 : i32 to index
    %swap3A_141 = arith.constant 16 : index
    %swap3A_142 = tpu.vector_load %arg7[%swap3A_140, %swap3A_141] {strides = array<i32>} : memref<16x32xi32, #tpu.memory_space<vmem>>, vector<16xi32>,
    tpu.vector_store %arg7[%swap3A_140, %swap3A_141], %gather3A_138 {strides = array<i32>} : memref<16x32xi32, #tpu.memory_space<vmem>>, vector<16xi32>,
    %add3A_143 = arith.constant 224 : i32
    %add3A_144 = arith.addi %mul3A_2, %add3A_143 : i32
    %get3A_145 = arith.index_cast %add3A_144 : i32 to index
    %get3A_146 = tpu.vector_load %arg6[%get3A_145] {strides = array<i32>} : memref<16384xi32, #tpu.memory_space<vmem>>, vector<16xi32>,
    %gather3A_147 = tpu.vector_load_idx %arg5[%get3A_146] : memref<100000xi32, #tpu.memory_space<vmem>>[vector<16xi32>], vector<16xi32>,
    %swap3A_148 = arith.constant 7 : i32
    %swap3A_149 = arith.index_cast %swap3A_148 : i32 to index
    %swap3A_150 = arith.constant 0 : index
    %swap3A_151 = tpu.vector_load %arg7[%swap3A_149, %swap3A_150] {strides = array<i32>} : memref<16x32xi32, #tpu.memory_space<vmem>>, vector<16xi32>,
    tpu.vector_store %arg7[%swap3A_149, %swap3A_150], %gather3A_147 {strides = array<i32>} : memref<16x32xi32, #tpu.memory_space<vmem>>, vector<16xi32>,
    %add3A_152 = arith.constant 240 : i32
    %add3A_153 = arith.addi %mul3A_2, %add3A_152 : i32
    %get3A_154 = arith.index_cast %add3A_153 : i32 to index
    %get3A_155 = tpu.vector_load %arg6[%get3A_154] {strides = array<i32>} : memref<16384xi32, #tpu.memory_space<vmem>>, vector<16xi32>,
    %gather3A_156 = tpu.vector_load_idx %arg5[%get3A_155] : memref<100000xi32, #tpu.memory_space<vmem>>[vector<16xi32>], vector<16xi32>,
    %swap3A_157 = arith.constant 7 : i32
    %swap3A_158 = arith.index_cast %swap3A_157 : i32 to index
    %swap3A_159 = arith.constant 16 : index
    %swap3A_160 = tpu.vector_load %arg7[%swap3A_158, %swap3A_159] {strides = array<i32>} : memref<16x32xi32, #tpu.memory_space<vmem>>, vector<16xi32>,
    tpu.vector_store %arg7[%swap3A_158, %swap3A_159], %gather3A_156 {strides = array<i32>} : memref<16x32xi32, #tpu.memory_space<vmem>>, vector<16xi32>,
    %add3A_161 = arith.constant 256 : i32
    %add3A_162 = arith.addi %mul3A_2, %add3A_161 : i32
    %get3A_163 = arith.index_cast %add3A_162 : i32 to index
    %get3A_164 = tpu.vector_load %arg6[%get3A_163] {strides = array<i32>} : memref<16384xi32, #tpu.memory_space<vmem>>, vector<16xi32>,
    %gather3A_165 = tpu.vector_load_idx %arg5[%get3A_164] : memref<100000xi32, #tpu.memory_space<vmem>>[vector<16xi32>], vector<16xi32>,
    %swap3A_166 = arith.constant 8 : i32
    %swap3A_167 = arith.index_cast %swap3A_166 : i32 to index
    %swap3A_168 = arith.constant 0 : index
    %swap3A_169 = tpu.vector_load %arg7[%swap3A_167, %swap3A_168] {strides = array<i32>} : memref<16x32xi32, #tpu.memory_space<vmem>>, vector<16xi32>,
    tpu.vector_store %arg7[%swap3A_167, %swap3A_168], %gather3A_165 {strides = array<i32>} : memref<16x32xi32, #tpu.memory_space<vmem>>, vector<16xi32>,
    %add3A_170 = arith.constant 272 : i32
    %add3A_171 = arith.addi %mul3A_2, %add3A_170 : i32
    %get3A_172 = arith.index_cast %add3A_171 : i32 to index
    %get3A_173 = tpu.vector_load %arg6[%get3A_172] {strides = array<i32>} : memref<16384xi32, #tpu.memory_space<vmem>>, vector<16xi32>,
    %gather3A_174 = tpu.vector_load_idx %arg5[%get3A_173] : memref<100000xi32, #tpu.memory_space<vmem>>[vector<16xi32>], vector<16xi32>,
    %swap3A_175 = arith.constant 8 : i32
    %swap3A_176 = arith.index_cast %swap3A_175 : i32 to index
    %swap3A_177 = arith.constant 16 : index
    %swap3A_178 = tpu.vector_load %arg7[%swap3A_176, %swap3A_177] {strides = array<i32>} : memref<16x32xi32, #tpu.memory_space<vmem>>, vector<16xi32>,
    tpu.vector_store %arg7[%swap3A_176, %swap3A_177], %gather3A_174 {strides = array<i32>} : memref<16x32xi32, #tpu.memory_space<vmem>>, vector<16xi32>,
    %add3A_179 = arith.constant 288 : i32
    %add3A_180 = arith.addi %mul3A_2, %add3A_179 : i32
    %get3A_181 = arith.index_cast %add3A_180 : i32 to index
    %get3A_182 = tpu.vector_load %arg6[%get3A_181] {strides = array<i32>} : memref<16384xi32, #tpu.memory_space<vmem>>, vector<16xi32>,
    %gather3A_183 = tpu.vector_load_idx %arg5[%get3A_182] : memref<100000xi32, #tpu.memory_space<vmem>>[vector<16xi32>], vector<16xi32>,
    %swap3A_184 = arith.constant 9 : i32
    %swap3A_185 = arith.index_cast %swap3A_184 : i32 to index
    %swap3A_186 = arith.constant 0 : index
    %swap3A_187 = tpu.vector_load %arg7[%swap3A_185, %swap3A_186] {strides = array<i32>} : memref<16x32xi32, #tpu.memory_space<vmem>>, vector<16xi32>,
    tpu.vector_store %arg7[%swap3A_185, %swap3A_186], %gather3A_183 {strides = array<i32>} : memref<16x32xi32, #tpu.memory_space<vmem>>, vector<16xi32>,
    %add3A_188 = arith.constant 304 : i32
    %add3A_189 = arith.addi %mul3A_2, %add3A_188 : i32
    %get3A_190 = arith.index_cast %add3A_189 : i32 to index
    %get3A_191 = tpu.vector_load %arg6[%get3A_190] {strides = array<i32>} : memref<16384xi32, #tpu.memory_space<vmem>>, vector<16xi32>,
    %gather3A_192 = tpu.vector_load_idx %arg5[%get3A_191] : memref<100000xi32, #tpu.memory_space<vmem>>[vector<16xi32>], vector<16xi32>,
    %swap3A_193 = arith.constant 9 : i32
    %swap3A_194 = arith.index_cast %swap3A_193 : i32 to index
    %swap3A_195 = arith.constant 16 : index
    %swap3A_196 = tpu.vector_load %arg7[%swap3A_194, %swap3A_195] {strides = array<i32>} : memref<16x32xi32, #tpu.memory_space<vmem>>, vector<16xi32>,
    tpu.vector_store %arg7[%swap3A_194, %swap3A_195], %gather3A_192 {strides = array<i32>} : memref<16x32xi32, #tpu.memory_space<vmem>>, vector<16xi32>,
    %add3A_197 = arith.constant 320 : i32
    %add3A_198 = arith.addi %mul3A_2, %add3A_197 : i32
    %get3A_199 = arith.index_cast %add3A_198 : i32 to index
    %get3A_200 = tpu.vector_load %arg6[%get3A_199] {strides = array<i32>} : memref<16384xi32, #tpu.memory_space<vmem>>, vector<16xi32>,
    %gather3A_201 = tpu.vector_load_idx %arg5[%get3A_200] : memref<100000xi32, #tpu.memory_space<vmem>>[vector<16xi32>], vector<16xi32>,
    %swap3A_202 = arith.constant 10 : i32
    %swap3A_203 = arith.index_cast %swap3A_202 : i32 to index
    %swap3A_204 = arith.constant 0 : index
    %swap3A_205 = tpu.vector_load %arg7[%swap3A_203, %swap3A_204] {strides = array<i32>} : memref<16x32xi32, #tpu.memory_space<vmem>>, vector<16xi32>,
    tpu.vector_store %arg7[%swap3A_203, %swap3A_204], %gather3A_201 {strides = array<i32>} : memref<16x32xi32, #tpu.memory_space<vmem>>, vector<16xi32>,
    %add3A_206 = arith.constant 336 : i32
    %add3A_207 = arith.addi %mul3A_2, %add3A_206 : i32
    %get3A_208 = arith.index_cast %add3A_207 : i32 to index
    %get3A_209 = tpu.vector_load %arg6[%get3A_208] {strides = array<i32>} : memref<16384xi32, #tpu.memory_space<vmem>>, vector<16xi32>,
    %gather3A_210 = tpu.vector_load_idx %arg5[%get3A_209] : memref<100000xi32, #tpu.memory_space<vmem>>[vector<16xi32>], vector<16xi32>,
    %swap3A_211 = arith.constant 10 : i32
    %swap3A_212 = arith.index_cast %swap3A_211 : i32 to index
    %swap3A_213 = arith.constant 16 : index
    %swap3A_214 = tpu.vector_load %arg7[%swap3A_212, %swap3A_213] {strides = array<i32>} : memref<16x32xi32, #tpu.memory_space<vmem>>, vector<16xi32>,
    tpu.vector_store %arg7[%swap3A_212, %swap3A_213], %gather3A_210 {strides = array<i32>} : memref<16x32xi32, #tpu.memory_space<vmem>>, vector<16xi32>,
    %add3A_215 = arith.constant 352 : i32
    %add3A_216 = arith.addi %mul3A_2, %add3A_215 : i32
    %get3A_217 = arith.index_cast %add3A_216 : i32 to index
    %get3A_218 = tpu.vector_load %arg6[%get3A_217] {strides = array<i32>} : memref<16384xi32, #tpu.memory_space<vmem>>, vector<16xi32>,
    %gather3A_219 = tpu.vector_load_idx %arg5[%get3A_218] : memref<100000xi32, #tpu.memory_space<vmem>>[vector<16xi32>], vector<16xi32>,
    %swap3A_220 = arith.constant 11 : i32
    %swap3A_221 = arith.index_cast %swap3A_220 : i32 to index
    %swap3A_222 = arith.constant 0 : index
    %swap3A_223 = tpu.vector_load %arg7[%swap3A_221, %swap3A_222] {strides = array<i32>} : memref<16x32xi32, #tpu.memory_space<vmem>>, vector<16xi32>,
    tpu.vector_store %arg7[%swap3A_221, %swap3A_222], %gather3A_219 {strides = array<i32>} : memref<16x32xi32, #tpu.memory_space<vmem>>, vector<16xi32>,
    %add3A_224 = arith.constant 368 : i32
    %add3A_225 = arith.addi %mul3A_2, %add3A_224 : i32
    %get3A_226 = arith.index_cast %add3A_225 : i32 to index
    %get3A_227 = tpu.vector_load %arg6[%get3A_226] {strides = array<i32>} : memref<16384xi32, #tpu.memory_space<vmem>>, vector<16xi32>,
    %gather3A_228 = tpu.vector_load_idx %arg5[%get3A_227] : memref<100000xi32, #tpu.memory_space<vmem>>[vector<16xi32>], vector<16xi32>,
    %swap3A_229 = arith.constant 11 : i32
    %swap3A_230 = arith.index_cast %swap3A_229 : i32 to index
    %swap3A_231 = arith.constant 16 : index
    %swap3A_232 = tpu.vector_load %arg7[%swap3A_230, %swap3A_231] {strides = array<i32>} : memref<16x32xi32, #tpu.memory_space<vmem>>, vector<16xi32>,
    tpu.vector_store %arg7[%swap3A_230, %swap3A_231], %gather3A_228 {strides = array<i32>} : memref<16x32xi32, #tpu.memory_space<vmem>>, vector<16xi32>,
    %add3A_233 = arith.constant 384 : i32
    %add3A_234 = arith.addi %mul3A_2, %add3A_233 : i32
    %get3A_235 = arith.index_cast %add3A_234 : i32 to index
    %get3A_236 = tpu.vector_load %arg6[%get3A_235] {strides = array<i32>} : memref<16384xi32, #tpu.memory_space<vmem>>, vector<16xi32>,
    %gather3A_237 = tpu.vector_load_idx %arg5[%get3A_236] : memref<100000xi32, #tpu.memory_space<vmem>>[vector<16xi32>], vector<16xi32>,
    %swap3A_238 = arith.constant 12 : i32
    %swap3A_239 = arith.index_cast %swap3A_238 : i32 to index
    %swap3A_240 = arith.constant 0 : index
    %swap3A_241 = tpu.vector_load %arg7[%swap3A_239, %swap3A_240] {strides = array<i32>} : memref<16x32xi32, #tpu.memory_space<vmem>>, vector<16xi32>,
    tpu.vector_store %arg7[%swap3A_239, %swap3A_240], %gather3A_237 {strides = array<i32>} : memref<16x32xi32, #tpu.memory_space<vmem>>, vector<16xi32>,
    %add3A_242 = arith.constant 400 : i32
    %add3A_243 = arith.addi %mul3A_2, %add3A_242 : i32
    %get3A_244 = arith.index_cast %add3A_243 : i32 to index
    %get3A_245 = tpu.vector_load %arg6[%get3A_244] {strides = array<i32>} : memref<16384xi32, #tpu.memory_space<vmem>>, vector<16xi32>,
    %gather3A_246 = tpu.vector_load_idx %arg5[%get3A_245] : memref<100000xi32, #tpu.memory_space<vmem>>[vector<16xi32>], vector<16xi32>,
    %swap3A_247 = arith.constant 12 : i32
    %swap3A_248 = arith.index_cast %swap3A_247 : i32 to index
    %swap3A_249 = arith.constant 16 : index
    %swap3A_250 = tpu.vector_load %arg7[%swap3A_248, %swap3A_249] {strides = array<i32>} : memref<16x32xi32, #tpu.memory_space<vmem>>, vector<16xi32>,
    tpu.vector_store %arg7[%swap3A_248, %swap3A_249], %gather3A_246 {strides = array<i32>} : memref<16x32xi32, #tpu.memory_space<vmem>>, vector<16xi32>,
    %add3A_251 = arith.constant 416 : i32
    %add3A_252 = arith.addi %mul3A_2, %add3A_251 : i32
    %get3A_253 = arith.index_cast %add3A_252 : i32 to index
    %get3A_254 = tpu.vector_load %arg6[%get3A_253] {strides = array<i32>} : memref<16384xi32, #tpu.memory_space<vmem>>, vector<16xi32>,
    %gather3A_255 = tpu.vector_load_idx %arg5[%get3A_254] : memref<100000xi32, #tpu.memory_space<vmem>>[vector<16xi32>], vector<16xi32>,
    %swap3A_256 = arith.constant 13 : i32
    %swap3A_257 = arith.index_cast %swap3A_256 : i32 to index
    %swap3A_258 = arith.constant 0 : index
    %swap3A_259 = tpu.vector_load %arg7[%swap3A_257, %swap3A_258] {strides = array<i32>} : memref<16x32xi32, #tpu.memory_space<vmem>>, vector<16xi32>,
    tpu.vector_store %arg7[%swap3A_257, %swap3A_258], %gather3A_255 {strides = array<i32>} : memref<16x32xi32, #tpu.memory_space<vmem>>, vector<16xi32>,
    %add3A_260 = arith.constant 432 : i32
    %add3A_261 = arith.addi %mul3A_2, %add3A_260 : i32
    %get3A_262 = arith.index_cast %add3A_261 : i32 to index
    %get3A_263 = tpu.vector_load %arg6[%get3A_262] {strides = array<i32>} : memref<16384xi32, #tpu.memory_space<vmem>>, vector<16xi32>,
    %gather3A_264 = tpu.vector_load_idx %arg5[%get3A_263] : memref<100000xi32, #tpu.memory_space<vmem>>[vector<16xi32>], vector<16xi32>,
    %swap3A_265 = arith.constant 13 : i32
    %swap3A_266 = arith.index_cast %swap3A_265 : i32 to index
    %swap3A_267 = arith.constant 16 : index
    %swap3A_268 = tpu.vector_load %arg7[%swap3A_266, %swap3A_267] {strides = array<i32>} : memref<16x32xi32, #tpu.memory_space<vmem>>, vector<16xi32>,
    tpu.vector_store %arg7[%swap3A_266, %swap3A_267], %gather3A_264 {strides = array<i32>} : memref<16x32xi32, #tpu.memory_space<vmem>>, vector<16xi32>,
    %add3A_269 = arith.constant 448 : i32
    %add3A_270 = arith.addi %mul3A_2, %add3A_269 : i32
    %get3A_271 = arith.index_cast %add3A_270 : i32 to index
    %get3A_272 = tpu.vector_load %arg6[%get3A_271] {strides = array<i32>} : memref<16384xi32, #tpu.memory_space<vmem>>, vector<16xi32>,
    %gather3A_273 = tpu.vector_load_idx %arg5[%get3A_272] : memref<100000xi32, #tpu.memory_space<vmem>>[vector<16xi32>], vector<16xi32>,
    %swap3A_274 = arith.constant 14 : i32
    %swap3A_275 = arith.index_cast %swap3A_274 : i32 to index
    %swap3A_276 = arith.constant 0 : index
    %swap3A_277 = tpu.vector_load %arg7[%swap3A_275, %swap3A_276] {strides = array<i32>} : memref<16x32xi32, #tpu.memory_space<vmem>>, vector<16xi32>,
    tpu.vector_store %arg7[%swap3A_275, %swap3A_276], %gather3A_273 {strides = array<i32>} : memref<16x32xi32, #tpu.memory_space<vmem>>, vector<16xi32>,
    %add3A_278 = arith.constant 464 : i32
    %add3A_279 = arith.addi %mul3A_2, %add3A_278 : i32
    %get3A_280 = arith.index_cast %add3A_279 : i32 to index
    %get3A_281 = tpu.vector_load %arg6[%get3A_280] {strides = array<i32>} : memref<16384xi32, #tpu.memory_space<vmem>>, vector<16xi32>,
    %gather3A_282 = tpu.vector_load_idx %arg5[%get3A_281] : memref<100000xi32, #tpu.memory_space<vmem>>[vector<16xi32>], vector<16xi32>,
    %swap3A_283 = arith.constant 14 : i32
    %swap3A_284 = arith.index_cast %swap3A_283 : i32 to index
    %swap3A_285 = arith.constant 16 : index
    %swap3A_286 = tpu.vector_load %arg7[%swap3A_284, %swap3A_285] {strides = array<i32>} : memref<16x32xi32, #tpu.memory_space<vmem>>, vector<16xi32>,
    tpu.vector_store %arg7[%swap3A_284, %swap3A_285], %gather3A_282 {strides = array<i32>} : memref<16x32xi32, #tpu.memory_space<vmem>>, vector<16xi32>,
    %add3A_287 = arith.constant 480 : i32
    %add3A_288 = arith.addi %mul3A_2, %add3A_287 : i32
    %get3A_289 = arith.index_cast %add3A_288 : i32 to index
    %get3A_290 = tpu.vector_load %arg6[%get3A_289] {strides = array<i32>} : memref<16384xi32, #tpu.memory_space<vmem>>, vector<16xi32>,
    %gather3A_291 = tpu.vector_load_idx %arg5[%get3A_290] : memref<100000xi32, #tpu.memory_space<vmem>>[vector<16xi32>], vector<16xi32>,
    %swap3A_292 = arith.constant 15 : i32
    %swap3A_293 = arith.index_cast %swap3A_292 : i32 to index
    %swap3A_294 = arith.constant 0 : index
    %swap3A_295 = tpu.vector_load %arg7[%swap3A_293, %swap3A_294] {strides = array<i32>} : memref<16x32xi32, #tpu.memory_space<vmem>>, vector<16xi32>,
    tpu.vector_store %arg7[%swap3A_293, %swap3A_294], %gather3A_291 {strides = array<i32>} : memref<16x32xi32, #tpu.memory_space<vmem>>, vector<16xi32>,
    %add3A_296 = arith.constant 496 : i32
    %add3A_297 = arith.addi %mul3A_2, %add3A_296 : i32
    %get3A_298 = arith.index_cast %add3A_297 : i32 to index
    %get3A_299 = tpu.vector_load %arg6[%get3A_298] {strides = array<i32>} : memref<16384xi32, #tpu.memory_space<vmem>>, vector<16xi32>,
    %gather3A_300 = tpu.vector_load_idx %arg5[%get3A_299] : memref<100000xi32, #tpu.memory_space<vmem>>[vector<16xi32>], vector<16xi32>,
    %swap3A_301 = arith.constant 15 : i32
    %swap3A_302 = arith.index_cast %swap3A_301 : i32 to index
    %swap3A_303 = arith.constant 16 : index
    %swap3A_304 = tpu.vector_load %arg7[%swap3A_302, %swap3A_303] {strides = array<i32>} : memref<16x32xi32, #tpu.memory_space<vmem>>, vector<16xi32>,
    tpu.vector_store %arg7[%swap3A_302, %swap3A_303], %gather3A_300 {strides = array<i32>} : memref<16x32xi32, #tpu.memory_space<vmem>>, vector<16xi32>,
    %dma_start3A = arith.constant 0 : i32
    %dma_start3A_305 = arith.constant 0 : i32
    %dma_start3A_306 = arith.constant 0 : i32
    %dma_start3A_307 = arith.constant 0 : i32
    %dma_start3A_308 = tpu.memref_slice %arg8[%dma_start3A_305, %dma_start3A_306, %dma_start3A_307] : memref<3x32x128xf32, #tpu.memory_space<vmem>> -> memref<1x32x128xf32, #tpu.memory_space<vmem>>
    %dma_start3A_309 = tpu.memref_squeeze %dma_start3A_308 : memref<1x32x128xf32, #tpu.memory_space<vmem>> -> memref<32x128xf32, #tpu.memory_space<vmem>>
    %dma_start3A_310 = arith.constant 0 : i32
    %dma_start3A_311 = tpu.memref_slice %arg7[%dma_start3A, %dma_start3A_310] : memref<16x32xi32, #tpu.memory_space<vmem>> -> memref<1x32xi32, #tpu.memory_space<vmem>>
    %dma_start3A_312 = tpu.memref_squeeze %dma_start3A_311 : memref<1x32xi32, #tpu.memory_space<vmem>> -> memref<32xi32, #tpu.memory_space<vmem>>
    %dma_start3A_313 = arith.constant 0 : i32
    %dma_start3A_314 = arith.constant 0 : i32
    %dma_start3A_315 = tpu.memref_slice %arg3[%dma_start3A_313, %dma_start3A_314] : memref<16384x128xf32, #tpu.memory_space<hbm>> -> memref<16384x128xf32, #tpu.memory_space<hbm>>
    tpu.enqueue_indirect_dma source(%dma_start3A_315 : memref<16384x128xf32, #tpu.memory_space<hbm>>) target(%dma_start3A_309 : memref<32x128xf32, #tpu.memory_space<vmem>>) offsets(%dma_start3A_312 : memref<32xi32, #tpu.memory_space<vmem>>) semaphore(%arg9 : memref<!tpu.dma_semaphore, #tpu.memory_space<semaphore_mem>>)
    %dma_start3A_316 = arith.constant 1 : i32
    %dma_start3A_317 = arith.constant 1 : i32
    %dma_start3A_318 = arith.constant 0 : i32
    %dma_start3A_319 = arith.constant 0 : i32
    %dma_start3A_320 = tpu.memref_slice %arg8[%dma_start3A_317, %dma_start3A_318, %dma_start3A_319] : memref<3x32x128xf32, #tpu.memory_space<vmem>> -> memref<1x32x128xf32, #tpu.memory_space<vmem>>
    %dma_start3A_321 = tpu.memref_squeeze %dma_start3A_320 : memref<1x32x128xf32, #tpu.memory_space<vmem>> -> memref<32x128xf32, #tpu.memory_space<vmem>>
    %dma_start3A_322 = arith.constant 0 : i32
    %dma_start3A_323 = tpu.memref_slice %arg7[%dma_start3A_316, %dma_start3A_322] : memref<16x32xi32, #tpu.memory_space<vmem>> -> memref<1x32xi32, #tpu.memory_space<vmem>>
    %dma_start3A_324 = tpu.memref_squeeze %dma_start3A_323 : memref<1x32xi32, #tpu.memory_space<vmem>> -> memref<32xi32, #tpu.memory_space<vmem>>
    %dma_start3A_325 = arith.constant 0 : i32
    %dma_start3A_326 = arith.constant 0 : i32
    %dma_start3A_327 = tpu.memref_slice %arg3[%dma_start3A_325, %dma_start3A_326] : memref<16384x128xf32, #tpu.memory_space<hbm>> -> memref<16384x128xf32, #tpu.memory_space<hbm>>
    tpu.enqueue_indirect_dma source(%dma_start3A_327 : memref<16384x128xf32, #tpu.memory_space<hbm>>) target(%dma_start3A_321 : memref<32x128xf32, #tpu.memory_space<vmem>>) offsets(%dma_start3A_324 : memref<32xi32, #tpu.memory_space<vmem>>) semaphore(%arg9 : memref<!tpu.dma_semaphore, #tpu.memory_space<semaphore_mem>>)
    %dma_start3A_328 = arith.constant 2 : i32
    %dma_start3A_329 = arith.constant 2 : i32
    %dma_start3A_330 = arith.constant 0 : i32
    %dma_start3A_331 = arith.constant 0 : i32
    %dma_start3A_332 = tpu.memref_slice %arg8[%dma_start3A_329, %dma_start3A_330, %dma_start3A_331] : memref<3x32x128xf32, #tpu.memory_space<vmem>> -> memref<1x32x128xf32, #tpu.memory_space<vmem>>
    %dma_start3A_333 = tpu.memref_squeeze %dma_start3A_332 : memref<1x32x128xf32, #tpu.memory_space<vmem>> -> memref<32x128xf32, #tpu.memory_space<vmem>>
    %dma_start3A_334 = arith.constant 0 : i32
    %dma_start3A_335 = tpu.memref_slice %arg7[%dma_start3A_328, %dma_start3A_334] : memref<16x32xi32, #tpu.memory_space<vmem>> -> memref<1x32xi32, #tpu.memory_space<vmem>>
    %dma_start3A_336 = tpu.memref_squeeze %dma_start3A_335 : memref<1x32xi32, #tpu.memory_space<vmem>> -> memref<32xi32, #tpu.memory_space<vmem>>
    %dma_start3A_337 = arith.constant 0 : i32
    %dma_start3A_338 = arith.constant 0 : i32
    %dma_start3A_339 = tpu.memref_slice %arg3[%dma_start3A_337, %dma_start3A_338] : memref<16384x128xf32, #tpu.memory_space<hbm>> -> memref<16384x128xf32, #tpu.memory_space<hbm>>
    tpu.enqueue_indirect_dma source(%dma_start3A_339 : memref<16384x128xf32, #tpu.memory_space<hbm>>) target(%dma_start3A_333 : memref<32x128xf32, #tpu.memory_space<vmem>>) offsets(%dma_start3A_336 : memref<32xi32, #tpu.memory_space<vmem>>) semaphore(%arg9 : memref<!tpu.dma_semaphore, #tpu.memory_space<semaphore_mem>>)
    %dma_wait3A = arith.constant 0 : i32
    %dma_wait3A_340 = arith.constant 0 : i32
    %dma_wait3A_341 = arith.constant 0 : i32
    %dma_wait3A_342 = arith.constant 0 : i32
    %dma_wait3A_343 = tpu.memref_slice %arg8[%dma_wait3A_340, %dma_wait3A_341, %dma_wait3A_342] : memref<3x32x128xf32, #tpu.memory_space<vmem>> -> memref<1x32x128xf32, #tpu.memory_space<vmem>>
    %dma_wait3A_344 = tpu.memref_squeeze %dma_wait3A_343 : memref<1x32x128xf32, #tpu.memory_space<vmem>> -> memref<32x128xf32, #tpu.memory_space<vmem>>
    %dma_wait3A_345 = arith.constant 0 : i32
    %dma_wait3A_346 = tpu.memref_slice %arg7[%dma_wait3A, %dma_wait3A_345] : memref<16x32xi32, #tpu.memory_space<vmem>> -> memref<1x32xi32, #tpu.memory_space<vmem>>
    %dma_wait3A_347 = tpu.memref_squeeze %dma_wait3A_346 : memref<1x32xi32, #tpu.memory_space<vmem>> -> memref<32xi32, #tpu.memory_space<vmem>>
    %dma_wait3A_348 = arith.constant 0 : i32
    %dma_wait3A_349 = arith.constant 0 : i32
    %dma_wait3A_350 = tpu.memref_slice %arg3[%dma_wait3A_348, %dma_wait3A_349] : memref<16384x128xf32, #tpu.memory_space<hbm>> -> memref<16384x128xf32, #tpu.memory_space<hbm>>
    tpu.wait_indirect_dma semaphore(%arg9 : memref<!tpu.dma_semaphore, #tpu.memory_space<semaphore_mem>>) src(%dma_wait3A_350 : memref<16384x128xf32, #tpu.memory_space<hbm>>) dst(%dma_wait3A_344 : memref<32x128xf32, #tpu.memory_space<vmem>>)
    %add3A_351 = arith.constant 0 : i32
    %add3A_352 = arith.addi %mul3A_2, %add3A_351 : i32
    %run_scoped3A = arith.constant 0 : i32
    "tpu.region"() ({
      %run_scoped3A_734 = tpu.sem_alloc : memref<!tpu.dma_semaphore, #tpu.memory_space<semaphore_mem>>
      %dma_start3A_735 = arith.constant 0 : i32
      %dma_start3A_736 = arith.constant 0 : i32
      %dma_start3A_737 = tpu.memref_slice %arg8[%run_scoped3A, %dma_start3A_735, %dma_start3A_736] : memref<3x32x128xf32, #tpu.memory_space<vmem>> -> memref<1x32x128xf32, #tpu.memory_space<vmem>>
      %dma_start3A_738 = tpu.memref_squeeze %dma_start3A_737 : memref<1x32x128xf32, #tpu.memory_space<vmem>> -> memref<32x128xf32, #tpu.memory_space<vmem>>
      %dma_start3A_739 = arith.constant 0 : i32
      %dma_start3A_740 = tpu.memref_slice %arg4[%add3A_352, %dma_start3A_739] : memref<16384x128xf32, #tpu.memory_space<hbm>> -> memref<32x128xf32, #tpu.memory_space<hbm>>
      %dma_start3A_741 = arith.constant 0 : i32
      %dma_start3A_742 = tpu.memref_slice %arg4[%add3A_352, %dma_start3A_741] : memref<16384x128xf32, #tpu.memory_space<hbm>> -> memref<32x128xf32, #tpu.memory_space<hbm>>
      %dma_start3A_743 = arith.constant 0 : i32
      %dma_start3A_744 = arith.constant 0 : i32
      %dma_start3A_745 = tpu.memref_slice %arg8[%run_scoped3A, %dma_start3A_743, %dma_start3A_744] : memref<3x32x128xf32, #tpu.memory_space<vmem>> -> memref<1x32x128xf32, #tpu.memory_space<vmem>>
      %dma_start3A_746 = tpu.memref_squeeze %dma_start3A_745 : memref<1x32x128xf32, #tpu.memory_space<vmem>> -> memref<32x128xf32, #tpu.memory_space<vmem>>
      tpu.enqueue_dma source(%dma_start3A_746 : memref<32x128xf32, #tpu.memory_space<vmem>>) target(%dma_start3A_742 : memref<32x128xf32, #tpu.memory_space<hbm>>) target_semaphore(%run_scoped3A_734 : memref<!tpu.dma_semaphore, #tpu.memory_space<semaphore_mem>>)
      %dma_wait3A_747 = arith.constant 0 : i32
      %dma_wait3A_748 = arith.constant 0 : i32
      %dma_wait3A_749 = tpu.memref_slice %arg8[%run_scoped3A, %dma_wait3A_747, %dma_wait3A_748] : memref<3x32x128xf32, #tpu.memory_space<vmem>> -> memref<1x32x128xf32, #tpu.memory_space<vmem>>
      %dma_wait3A_750 = tpu.memref_squeeze %dma_wait3A_749 : memref<1x32x128xf32, #tpu.memory_space<vmem>> -> memref<32x128xf32, #tpu.memory_space<vmem>>
      %dma_wait3A_751 = arith.constant 0 : i32
      %dma_wait3A_752 = tpu.memref_slice %arg4[%add3A_352, %dma_wait3A_751] : memref<16384x128xf32, #tpu.memory_space<hbm>> -> memref<32x128xf32, #tpu.memory_space<hbm>>
      %dma_wait3A_753 = arith.constant 0 : i32
      %dma_wait3A_754 = tpu.memref_slice %arg4[%add3A_352, %dma_wait3A_753] : memref<16384x128xf32, #tpu.memory_space<hbm>> -> memref<32x128xf32, #tpu.memory_space<hbm>>
      %dma_wait3A_755 = arith.constant 0 : i32
      %dma_wait3A_756 = arith.constant 0 : i32
      %dma_wait3A_757 = tpu.memref_slice %arg8[%run_scoped3A, %dma_wait3A_755, %dma_wait3A_756] : memref<3x32x128xf32, #tpu.memory_space<vmem>> -> memref<1x32x128xf32, #tpu.memory_space<vmem>>
      %dma_wait3A_758 = tpu.memref_squeeze %dma_wait3A_757 : memref<1x32x128xf32, #tpu.memory_space<vmem>> -> memref<32x128xf32, #tpu.memory_space<vmem>>
      tpu.wait_dma2 semaphore(%run_scoped3A_734 : memref<!tpu.dma_semaphore, #tpu.memory_space<semaphore_mem>>) src(%dma_wait3A_758 : memref<32x128xf32, #tpu.memory_space<vmem>>) dst(%dma_wait3A_754 : memref<32x128xf32, #tpu.memory_space<hbm>>)
      tpu.yield
    }) : () -> ()
    %dma_start3A_353 = arith.constant 3 : i32
    %dma_start3A_354 = arith.constant 0 : i32
    %dma_start3A_355 = arith.constant 0 : i32
    %dma_start3A_356 = arith.constant 0 : i32
    %dma_start3A_357 = tpu.memref_slice %arg8[%dma_start3A_354, %dma_start3A_355, %dma_start3A_356] : memref<3x32x128xf32, #tpu.memory_space<vmem>> -> memref<1x32x128xf32, #tpu.memory_space<vmem>>
    %dma_start3A_358 = tpu.memref_squeeze %dma_start3A_357 : memref<1x32x128xf32, #tpu.memory_space<vmem>> -> memref<32x128xf32, #tpu.memory_space<vmem>>
    %dma_start3A_359 = arith.constant 0 : i32
    %dma_start3A_360 = tpu.memref_slice %arg7[%dma_start3A_353, %dma_start3A_359] : memref<16x32xi32, #tpu.memory_space<vmem>> -> memref<1x32xi32, #tpu.memory_space<vmem>>
    %dma_start3A_361 = tpu.memref_squeeze %dma_start3A_360 : memref<1x32xi32, #tpu.memory_space<vmem>> -> memref<32xi32, #tpu.memory_space<vmem>>
    %dma_start3A_362 = arith.constant 0 : i32
    %dma_start3A_363 = arith.constant 0 : i32
    %dma_start3A_364 = tpu.memref_slice %arg3[%dma_start3A_362, %dma_start3A_363] : memref<16384x128xf32, #tpu.memory_space<hbm>> -> memref<16384x128xf32, #tpu.memory_space<hbm>>
    tpu.enqueue_indirect_dma source(%dma_start3A_364 : memref<16384x128xf32, #tpu.memory_space<hbm>>) target(%dma_start3A_358 : memref<32x128xf32, #tpu.memory_space<vmem>>) offsets(%dma_start3A_361 : memref<32xi32, #tpu.memory_space<vmem>>) semaphore(%arg9 : memref<!tpu.dma_semaphore, #tpu.memory_space<semaphore_mem>>)
    %dma_wait3A_365 = arith.constant 1 : i32
    %dma_wait3A_366 = arith.constant 1 : i32
    %dma_wait3A_367 = arith.constant 0 : i32
    %dma_wait3A_368 = arith.constant 0 : i32
    %dma_wait3A_369 = tpu.memref_slice %arg8[%dma_wait3A_366, %dma_wait3A_367, %dma_wait3A_368] : memref<3x32x128xf32, #tpu.memory_space<vmem>> -> memref<1x32x128xf32, #tpu.memory_space<vmem>>
    %dma_wait3A_370 = tpu.memref_squeeze %dma_wait3A_369 : memref<1x32x128xf32, #tpu.memory_space<vmem>> -> memref<32x128xf32, #tpu.memory_space<vmem>>
    %dma_wait3A_371 = arith.constant 0 : i32
    %dma_wait3A_372 = tpu.memref_slice %arg7[%dma_wait3A_365, %dma_wait3A_371] : memref<16x32xi32, #tpu.memory_space<vmem>> -> memref<1x32xi32, #tpu.memory_space<vmem>>
    %dma_wait3A_373 = tpu.memref_squeeze %dma_wait3A_372 : memref<1x32xi32, #tpu.memory_space<vmem>> -> memref<32xi32, #tpu.memory_space<vmem>>
    %dma_wait3A_374 = arith.constant 0 : i32
    %dma_wait3A_375 = arith.constant 0 : i32
    %dma_wait3A_376 = tpu.memref_slice %arg3[%dma_wait3A_374, %dma_wait3A_375] : memref<16384x128xf32, #tpu.memory_space<hbm>> -> memref<16384x128xf32, #tpu.memory_space<hbm>>
    tpu.wait_indirect_dma semaphore(%arg9 : memref<!tpu.dma_semaphore, #tpu.memory_space<semaphore_mem>>) src(%dma_wait3A_376 : memref<16384x128xf32, #tpu.memory_space<hbm>>) dst(%dma_wait3A_370 : memref<32x128xf32, #tpu.memory_space<vmem>>)
    %add3A_377 = arith.constant 32 : i32
    %add3A_378 = arith.addi %mul3A_2, %add3A_377 : i32
    %run_scoped3A_379 = arith.constant 1 : i32
    "tpu.region"() ({
      %run_scoped3A_734 = tpu.sem_alloc : memref<!tpu.dma_semaphore, #tpu.memory_space<semaphore_mem>>
      %dma_start3A_735 = arith.constant 0 : i32
      %dma_start3A_736 = arith.constant 0 : i32
      %dma_start3A_737 = tpu.memref_slice %arg8[%run_scoped3A_379, %dma_start3A_735, %dma_start3A_736] : memref<3x32x128xf32, #tpu.memory_space<vmem>> -> memref<1x32x128xf32, #tpu.memory_space<vmem>>
      %dma_start3A_738 = tpu.memref_squeeze %dma_start3A_737 : memref<1x32x128xf32, #tpu.memory_space<vmem>> -> memref<32x128xf32, #tpu.memory_space<vmem>>
      %dma_start3A_739 = arith.constant 0 : i32
      %dma_start3A_740 = tpu.memref_slice %arg4[%add3A_378, %dma_start3A_739] : memref<16384x128xf32, #tpu.memory_space<hbm>> -> memref<32x128xf32, #tpu.memory_space<hbm>>
      %dma_start3A_741 = arith.constant 0 : i32
      %dma_start3A_742 = tpu.memref_slice %arg4[%add3A_378, %dma_start3A_741] : memref<16384x128xf32, #tpu.memory_space<hbm>> -> memref<32x128xf32, #tpu.memory_space<hbm>>
      %dma_start3A_743 = arith.constant 0 : i32
      %dma_start3A_744 = arith.constant 0 : i32
      %dma_start3A_745 = tpu.memref_slice %arg8[%run_scoped3A_379, %dma_start3A_743, %dma_start3A_744] : memref<3x32x128xf32, #tpu.memory_space<vmem>> -> memref<1x32x128xf32, #tpu.memory_space<vmem>>
      %dma_start3A_746 = tpu.memref_squeeze %dma_start3A_745 : memref<1x32x128xf32, #tpu.memory_space<vmem>> -> memref<32x128xf32, #tpu.memory_space<vmem>>
      tpu.enqueue_dma source(%dma_start3A_746 : memref<32x128xf32, #tpu.memory_space<vmem>>) target(%dma_start3A_742 : memref<32x128xf32, #tpu.memory_space<hbm>>) target_semaphore(%run_scoped3A_734 : memref<!tpu.dma_semaphore, #tpu.memory_space<semaphore_mem>>)
      %dma_wait3A_747 = arith.constant 0 : i32
      %dma_wait3A_748 = arith.constant 0 : i32
      %dma_wait3A_749 = tpu.memref_slice %arg8[%run_scoped3A_379, %dma_wait3A_747, %dma_wait3A_748] : memref<3x32x128xf32, #tpu.memory_space<vmem>> -> memref<1x32x128xf32, #tpu.memory_space<vmem>>
      %dma_wait3A_750 = tpu.memref_squeeze %dma_wait3A_749 : memref<1x32x128xf32, #tpu.memory_space<vmem>> -> memref<32x128xf32, #tpu.memory_space<vmem>>
      %dma_wait3A_751 = arith.constant 0 : i32
      %dma_wait3A_752 = tpu.memref_slice %arg4[%add3A_378, %dma_wait3A_751] : memref<16384x128xf32, #tpu.memory_space<hbm>> -> memref<32x128xf32, #tpu.memory_space<hbm>>
      %dma_wait3A_753 = arith.constant 0 : i32
      %dma_wait3A_754 = tpu.memref_slice %arg4[%add3A_378, %dma_wait3A_753] : memref<16384x128xf32, #tpu.memory_space<hbm>> -> memref<32x128xf32, #tpu.memory_space<hbm>>
      %dma_wait3A_755 = arith.constant 0 : i32
      %dma_wait3A_756 = arith.constant 0 : i32
      %dma_wait3A_757 = tpu.memref_slice %arg8[%run_scoped3A_379, %dma_wait3A_755, %dma_wait3A_756] : memref<3x32x128xf32, #tpu.memory_space<vmem>> -> memref<1x32x128xf32, #tpu.memory_space<vmem>>
      %dma_wait3A_758 = tpu.memref_squeeze %dma_wait3A_757 : memref<1x32x128xf32, #tpu.memory_space<vmem>> -> memref<32x128xf32, #tpu.memory_space<vmem>>
      tpu.wait_dma2 semaphore(%run_scoped3A_734 : memref<!tpu.dma_semaphore, #tpu.memory_space<semaphore_mem>>) src(%dma_wait3A_758 : memref<32x128xf32, #tpu.memory_space<vmem>>) dst(%dma_wait3A_754 : memref<32x128xf32, #tpu.memory_space<hbm>>)
      tpu.yield
    }) : () -> ()
    %dma_start3A_380 = arith.constant 4 : i32
    %dma_start3A_381 = arith.constant 1 : i32
    %dma_start3A_382 = arith.constant 0 : i32
    %dma_start3A_383 = arith.constant 0 : i32
    %dma_start3A_384 = tpu.memref_slice %arg8[%dma_start3A_381, %dma_start3A_382, %dma_start3A_383] : memref<3x32x128xf32, #tpu.memory_space<vmem>> -> memref<1x32x128xf32, #tpu.memory_space<vmem>>
    %dma_start3A_385 = tpu.memref_squeeze %dma_start3A_384 : memref<1x32x128xf32, #tpu.memory_space<vmem>> -> memref<32x128xf32, #tpu.memory_space<vmem>>
    %dma_start3A_386 = arith.constant 0 : i32
    %dma_start3A_387 = tpu.memref_slice %arg7[%dma_start3A_380, %dma_start3A_386] : memref<16x32xi32, #tpu.memory_space<vmem>> -> memref<1x32xi32, #tpu.memory_space<vmem>>
    %dma_start3A_388 = tpu.memref_squeeze %dma_start3A_387 : memref<1x32xi32, #tpu.memory_space<vmem>> -> memref<32xi32, #tpu.memory_space<vmem>>
    %dma_start3A_389 = arith.constant 0 : i32
    %dma_start3A_390 = arith.constant 0 : i32
    %dma_start3A_391 = tpu.memref_slice %arg3[%dma_start3A_389, %dma_start3A_390] : memref<16384x128xf32, #tpu.memory_space<hbm>> -> memref<16384x128xf32, #tpu.memory_space<hbm>>
    tpu.enqueue_indirect_dma source(%dma_start3A_391 : memref<16384x128xf32, #tpu.memory_space<hbm>>) target(%dma_start3A_385 : memref<32x128xf32, #tpu.memory_space<vmem>>) offsets(%dma_start3A_388 : memref<32xi32, #tpu.memory_space<vmem>>) semaphore(%arg9 : memref<!tpu.dma_semaphore, #tpu.memory_space<semaphore_mem>>)
    %dma_wait3A_392 = arith.constant 2 : i32
    %dma_wait3A_393 = arith.constant 2 : i32
    %dma_wait3A_394 = arith.constant 0 : i32
    %dma_wait3A_395 = arith.constant 0 : i32
    %dma_wait3A_396 = tpu.memref_slice %arg8[%dma_wait3A_393, %dma_wait3A_394, %dma_wait3A_395] : memref<3x32x128xf32, #tpu.memory_space<vmem>> -> memref<1x32x128xf32, #tpu.memory_space<vmem>>
    %dma_wait3A_397 = tpu.memref_squeeze %dma_wait3A_396 : memref<1x32x128xf32, #tpu.memory_space<vmem>> -> memref<32x128xf32, #tpu.memory_space<vmem>>
    %dma_wait3A_398 = arith.constant 0 : i32
    %dma_wait3A_399 = tpu.memref_slice %arg7[%dma_wait3A_392, %dma_wait3A_398] : memref<16x32xi32, #tpu.memory_space<vmem>> -> memref<1x32xi32, #tpu.memory_space<vmem>>
    %dma_wait3A_400 = tpu.memref_squeeze %dma_wait3A_399 : memref<1x32xi32, #tpu.memory_space<vmem>> -> memref<32xi32, #tpu.memory_space<vmem>>
    %dma_wait3A_401 = arith.constant 0 : i32
    %dma_wait3A_402 = arith.constant 0 : i32
    %dma_wait3A_403 = tpu.memref_slice %arg3[%dma_wait3A_401, %dma_wait3A_402] : memref<16384x128xf32, #tpu.memory_space<hbm>> -> memref<16384x128xf32, #tpu.memory_space<hbm>>
    tpu.wait_indirect_dma semaphore(%arg9 : memref<!tpu.dma_semaphore, #tpu.memory_space<semaphore_mem>>) src(%dma_wait3A_403 : memref<16384x128xf32, #tpu.memory_space<hbm>>) dst(%dma_wait3A_397 : memref<32x128xf32, #tpu.memory_space<vmem>>)
    %add3A_404 = arith.constant 64 : i32
    %add3A_405 = arith.addi %mul3A_2, %add3A_404 : i32
    %run_scoped3A_406 = arith.constant 2 : i32
    "tpu.region"() ({
      %run_scoped3A_734 = tpu.sem_alloc : memref<!tpu.dma_semaphore, #tpu.memory_space<semaphore_mem>>
      %dma_start3A_735 = arith.constant 0 : i32
      %dma_start3A_736 = arith.constant 0 : i32
      %dma_start3A_737 = tpu.memref_slice %arg8[%run_scoped3A_406, %dma_start3A_735, %dma_start3A_736] : memref<3x32x128xf32, #tpu.memory_space<vmem>> -> memref<1x32x128xf32, #tpu.memory_space<vmem>>
      %dma_start3A_738 = tpu.memref_squeeze %dma_start3A_737 : memref<1x32x128xf32, #tpu.memory_space<vmem>> -> memref<32x128xf32, #tpu.memory_space<vmem>>
      %dma_start3A_739 = arith.constant 0 : i32
      %dma_start3A_740 = tpu.memref_slice %arg4[%add3A_405, %dma_start3A_739] : memref<16384x128xf32, #tpu.memory_space<hbm>> -> memref<32x128xf32, #tpu.memory_space<hbm>>
      %dma_start3A_741 = arith.constant 0 : i32
      %dma_start3A_742 = tpu.memref_slice %arg4[%add3A_405, %dma_start3A_741] : memref<16384x128xf32, #tpu.memory_space<hbm>> -> memref<32x128xf32, #tpu.memory_space<hbm>>
      %dma_start3A_743 = arith.constant 0 : i32
      %dma_start3A_744 = arith.constant 0 : i32
      %dma_start3A_745 = tpu.memref_slice %arg8[%run_scoped3A_406, %dma_start3A_743, %dma_start3A_744] : memref<3x32x128xf32, #tpu.memory_space<vmem>> -> memref<1x32x128xf32, #tpu.memory_space<vmem>>
      %dma_start3A_746 = tpu.memref_squeeze %dma_start3A_745 : memref<1x32x128xf32, #tpu.memory_space<vmem>> -> memref<32x128xf32, #tpu.memory_space<vmem>>
      tpu.enqueue_dma source(%dma_start3A_746 : memref<32x128xf32, #tpu.memory_space<vmem>>) target(%dma_start3A_742 : memref<32x128xf32, #tpu.memory_space<hbm>>) target_semaphore(%run_scoped3A_734 : memref<!tpu.dma_semaphore, #tpu.memory_space<semaphore_mem>>)
      %dma_wait3A_747 = arith.constant 0 : i32
      %dma_wait3A_748 = arith.constant 0 : i32
      %dma_wait3A_749 = tpu.memref_slice %arg8[%run_scoped3A_406, %dma_wait3A_747, %dma_wait3A_748] : memref<3x32x128xf32, #tpu.memory_space<vmem>> -> memref<1x32x128xf32, #tpu.memory_space<vmem>>
      %dma_wait3A_750 = tpu.memref_squeeze %dma_wait3A_749 : memref<1x32x128xf32, #tpu.memory_space<vmem>> -> memref<32x128xf32, #tpu.memory_space<vmem>>
      %dma_wait3A_751 = arith.constant 0 : i32
      %dma_wait3A_752 = tpu.memref_slice %arg4[%add3A_405, %dma_wait3A_751] : memref<16384x128xf32, #tpu.memory_space<hbm>> -> memref<32x128xf32, #tpu.memory_space<hbm>>
      %dma_wait3A_753 = arith.constant 0 : i32
      %dma_wait3A_754 = tpu.memref_slice %arg4[%add3A_405, %dma_wait3A_753] : memref<16384x128xf32, #tpu.memory_space<hbm>> -> memref<32x128xf32, #tpu.memory_space<hbm>>
      %dma_wait3A_755 = arith.constant 0 : i32
      %dma_wait3A_756 = arith.constant 0 : i32
      %dma_wait3A_757 = tpu.memref_slice %arg8[%run_scoped3A_406, %dma_wait3A_755, %dma_wait3A_756] : memref<3x32x128xf32, #tpu.memory_space<vmem>> -> memref<1x32x128xf32, #tpu.memory_space<vmem>>
      %dma_wait3A_758 = tpu.memref_squeeze %dma_wait3A_757 : memref<1x32x128xf32, #tpu.memory_space<vmem>> -> memref<32x128xf32, #tpu.memory_space<vmem>>
      tpu.wait_dma2 semaphore(%run_scoped3A_734 : memref<!tpu.dma_semaphore, #tpu.memory_space<semaphore_mem>>) src(%dma_wait3A_758 : memref<32x128xf32, #tpu.memory_space<vmem>>) dst(%dma_wait3A_754 : memref<32x128xf32, #tpu.memory_space<hbm>>)
      tpu.yield
    }) : () -> ()
    %dma_start3A_407 = arith.constant 5 : i32
    %dma_start3A_408 = arith.constant 2 : i32
    %dma_start3A_409 = arith.constant 0 : i32
    %dma_start3A_410 = arith.constant 0 : i32
    %dma_start3A_411 = tpu.memref_slice %arg8[%dma_start3A_408, %dma_start3A_409, %dma_start3A_410] : memref<3x32x128xf32, #tpu.memory_space<vmem>> -> memref<1x32x128xf32, #tpu.memory_space<vmem>>
    %dma_start3A_412 = tpu.memref_squeeze %dma_start3A_411 : memref<1x32x128xf32, #tpu.memory_space<vmem>> -> memref<32x128xf32, #tpu.memory_space<vmem>>
    %dma_start3A_413 = arith.constant 0 : i32
    %dma_start3A_414 = tpu.memref_slice %arg7[%dma_start3A_407, %dma_start3A_413] : memref<16x32xi32, #tpu.memory_space<vmem>> -> memref<1x32xi32, #tpu.memory_space<vmem>>
    %dma_start3A_415 = tpu.memref_squeeze %dma_start3A_414 : memref<1x32xi32, #tpu.memory_space<vmem>> -> memref<32xi32, #tpu.memory_space<vmem>>
    %dma_start3A_416 = arith.constant 0 : i32
    %dma_start3A_417 = arith.constant 0 : i32
    %dma_start3A_418 = tpu.memref_slice %arg3[%dma_start3A_416, %dma_start3A_417] : memref<16384x128xf32, #tpu.memory_space<hbm>> -> memref<16384x128xf32, #tpu.memory_space<hbm>>
    tpu.enqueue_indirect_dma source(%dma_start3A_418 : memref<16384x128xf32, #tpu.memory_space<hbm>>) target(%dma_start3A_412 : memref<32x128xf32, #tpu.memory_space<vmem>>) offsets(%dma_start3A_415 : memref<32xi32, #tpu.memory_space<vmem>>) semaphore(%arg9 : memref<!tpu.dma_semaphore, #tpu.memory_space<semaphore_mem>>)
    %dma_wait3A_419 = arith.constant 3 : i32
    %dma_wait3A_420 = arith.constant 0 : i32
    %dma_wait3A_421 = arith.constant 0 : i32
    %dma_wait3A_422 = arith.constant 0 : i32
    %dma_wait3A_423 = tpu.memref_slice %arg8[%dma_wait3A_420, %dma_wait3A_421, %dma_wait3A_422] : memref<3x32x128xf32, #tpu.memory_space<vmem>> -> memref<1x32x128xf32, #tpu.memory_space<vmem>>
    %dma_wait3A_424 = tpu.memref_squeeze %dma_wait3A_423 : memref<1x32x128xf32, #tpu.memory_space<vmem>> -> memref<32x128xf32, #tpu.memory_space<vmem>>
    %dma_wait3A_425 = arith.constant 0 : i32
    %dma_wait3A_426 = tpu.memref_slice %arg7[%dma_wait3A_419, %dma_wait3A_425] : memref<16x32xi32, #tpu.memory_space<vmem>> -> memref<1x32xi32, #tpu.memory_space<vmem>>
    %dma_wait3A_427 = tpu.memref_squeeze %dma_wait3A_426 : memref<1x32xi32, #tpu.memory_space<vmem>> -> memref<32xi32, #tpu.memory_space<vmem>>
    %dma_wait3A_428 = arith.constant 0 : i32
    %dma_wait3A_429 = arith.constant 0 : i32
    %dma_wait3A_430 = tpu.memref_slice %arg3[%dma_wait3A_428, %dma_wait3A_429] : memref<16384x128xf32, #tpu.memory_space<hbm>> -> memref<16384x128xf32, #tpu.memory_space<hbm>>
    tpu.wait_indirect_dma semaphore(%arg9 : memref<!tpu.dma_semaphore, #tpu.memory_space<semaphore_mem>>) src(%dma_wait3A_430 : memref<16384x128xf32, #tpu.memory_space<hbm>>) dst(%dma_wait3A_424 : memref<32x128xf32, #tpu.memory_space<vmem>>)
    %add3A_431 = arith.constant 96 : i32
    %add3A_432 = arith.addi %mul3A_2, %add3A_431 : i32
    %run_scoped3A_433 = arith.constant 0 : i32
    "tpu.region"() ({
      %run_scoped3A_734 = tpu.sem_alloc : memref<!tpu.dma_semaphore, #tpu.memory_space<semaphore_mem>>
      %dma_start3A_735 = arith.constant 0 : i32
      %dma_start3A_736 = arith.constant 0 : i32
      %dma_start3A_737 = tpu.memref_slice %arg8[%run_scoped3A_433, %dma_start3A_735, %dma_start3A_736] : memref<3x32x128xf32, #tpu.memory_space<vmem>> -> memref<1x32x128xf32, #tpu.memory_space<vmem>>
      %dma_start3A_738 = tpu.memref_squeeze %dma_start3A_737 : memref<1x32x128xf32, #tpu.memory_space<vmem>> -> memref<32x128xf32, #tpu.memory_space<vmem>>
      %dma_start3A_739 = arith.constant 0 : i32
      %dma_start3A_740 = tpu.memref_slice %arg4[%add3A_432, %dma_start3A_739] : memref<16384x128xf32, #tpu.memory_space<hbm>> -> memref<32x128xf32, #tpu.memory_space<hbm>>
      %dma_start3A_741 = arith.constant 0 : i32
      %dma_start3A_742 = tpu.memref_slice %arg4[%add3A_432, %dma_start3A_741] : memref<16384x128xf32, #tpu.memory_space<hbm>> -> memref<32x128xf32, #tpu.memory_space<hbm>>
      %dma_start3A_743 = arith.constant 0 : i32
      %dma_start3A_744 = arith.constant 0 : i32
      %dma_start3A_745 = tpu.memref_slice %arg8[%run_scoped3A_433, %dma_start3A_743, %dma_start3A_744] : memref<3x32x128xf32, #tpu.memory_space<vmem>> -> memref<1x32x128xf32, #tpu.memory_space<vmem>>
      %dma_start3A_746 = tpu.memref_squeeze %dma_start3A_745 : memref<1x32x128xf32, #tpu.memory_space<vmem>> -> memref<32x128xf32, #tpu.memory_space<vmem>>
      tpu.enqueue_dma source(%dma_start3A_746 : memref<32x128xf32, #tpu.memory_space<vmem>>) target(%dma_start3A_742 : memref<32x128xf32, #tpu.memory_space<hbm>>) target_semaphore(%run_scoped3A_734 : memref<!tpu.dma_semaphore, #tpu.memory_space<semaphore_mem>>)
      %dma_wait3A_747 = arith.constant 0 : i32
      %dma_wait3A_748 = arith.constant 0 : i32
      %dma_wait3A_749 = tpu.memref_slice %arg8[%run_scoped3A_433, %dma_wait3A_747, %dma_wait3A_748] : memref<3x32x128xf32, #tpu.memory_space<vmem>> -> memref<1x32x128xf32, #tpu.memory_space<vmem>>
      %dma_wait3A_750 = tpu.memref_squeeze %dma_wait3A_749 : memref<1x32x128xf32, #tpu.memory_space<vmem>> -> memref<32x128xf32, #tpu.memory_space<vmem>>
      %dma_wait3A_751 = arith.constant 0 : i32
      %dma_wait3A_752 = tpu.memref_slice %arg4[%add3A_432, %dma_wait3A_751] : memref<16384x128xf32, #tpu.memory_space<hbm>> -> memref<32x128xf32, #tpu.memory_space<hbm>>
      %dma_wait3A_753 = arith.constant 0 : i32
      %dma_wait3A_754 = tpu.memref_slice %arg4[%add3A_432, %dma_wait3A_753] : memref<16384x128xf32, #tpu.memory_space<hbm>> -> memref<32x128xf32, #tpu.memory_space<hbm>>
      %dma_wait3A_755 = arith.constant 0 : i32
      %dma_wait3A_756 = arith.constant 0 : i32
      %dma_wait3A_757 = tpu.memref_slice %arg8[%run_scoped3A_433, %dma_wait3A_755, %dma_wait3A_756] : memref<3x32x128xf32, #tpu.memory_space<vmem>> -> memref<1x32x128xf32, #tpu.memory_space<vmem>>
      %dma_wait3A_758 = tpu.memref_squeeze %dma_wait3A_757 : memref<1x32x128xf32, #tpu.memory_space<vmem>> -> memref<32x128xf32, #tpu.memory_space<vmem>>
      tpu.wait_dma2 semaphore(%run_scoped3A_734 : memref<!tpu.dma_semaphore, #tpu.memory_space<semaphore_mem>>) src(%dma_wait3A_758 : memref<32x128xf32, #tpu.memory_space<vmem>>) dst(%dma_wait3A_754 : memref<32x128xf32, #tpu.memory_space<hbm>>)
      tpu.yield
    }) : () -> ()
    %dma_start3A_434 = arith.constant 6 : i32
    %dma_start3A_435 = arith.constant 0 : i32
    %dma_start3A_436 = arith.constant 0 : i32
    %dma_start3A_437 = arith.constant 0 : i32
    %dma_start3A_438 = tpu.memref_slice %arg8[%dma_start3A_435, %dma_start3A_436, %dma_start3A_437] : memref<3x32x128xf32, #tpu.memory_space<vmem>> -> memref<1x32x128xf32, #tpu.memory_space<vmem>>
    %dma_start3A_439 = tpu.memref_squeeze %dma_start3A_438 : memref<1x32x128xf32, #tpu.memory_space<vmem>> -> memref<32x128xf32, #tpu.memory_space<vmem>>
    %dma_start3A_440 = arith.constant 0 : i32
    %dma_start3A_441 = tpu.memref_slice %arg7[%dma_start3A_434, %dma_start3A_440] : memref<16x32xi32, #tpu.memory_space<vmem>> -> memref<1x32xi32, #tpu.memory_space<vmem>>
    %dma_start3A_442 = tpu.memref_squeeze %dma_start3A_441 : memref<1x32xi32, #tpu.memory_space<vmem>> -> memref<32xi32, #tpu.memory_space<vmem>>
    %dma_start3A_443 = arith.constant 0 : i32
    %dma_start3A_444 = arith.constant 0 : i32
    %dma_start3A_445 = tpu.memref_slice %arg3[%dma_start3A_443, %dma_start3A_444] : memref<16384x128xf32, #tpu.memory_space<hbm>> -> memref<16384x128xf32, #tpu.memory_space<hbm>>
    tpu.enqueue_indirect_dma source(%dma_start3A_445 : memref<16384x128xf32, #tpu.memory_space<hbm>>) target(%dma_start3A_439 : memref<32x128xf32, #tpu.memory_space<vmem>>) offsets(%dma_start3A_442 : memref<32xi32, #tpu.memory_space<vmem>>) semaphore(%arg9 : memref<!tpu.dma_semaphore, #tpu.memory_space<semaphore_mem>>)
    %dma_wait3A_446 = arith.constant 4 : i32
    %dma_wait3A_447 = arith.constant 1 : i32
    %dma_wait3A_448 = arith.constant 0 : i32
    %dma_wait3A_449 = arith.constant 0 : i32
    %dma_wait3A_450 = tpu.memref_slice %arg8[%dma_wait3A_447, %dma_wait3A_448, %dma_wait3A_449] : memref<3x32x128xf32, #tpu.memory_space<vmem>> -> memref<1x32x128xf32, #tpu.memory_space<vmem>>
    %dma_wait3A_451 = tpu.memref_squeeze %dma_wait3A_450 : memref<1x32x128xf32, #tpu.memory_space<vmem>> -> memref<32x128xf32, #tpu.memory_space<vmem>>
    %dma_wait3A_452 = arith.constant 0 : i32
    %dma_wait3A_453 = tpu.memref_slice %arg7[%dma_wait3A_446, %dma_wait3A_452] : memref<16x32xi32, #tpu.memory_space<vmem>> -> memref<1x32xi32, #tpu.memory_space<vmem>>
    %dma_wait3A_454 = tpu.memref_squeeze %dma_wait3A_453 : memref<1x32xi32, #tpu.memory_space<vmem>> -> memref<32xi32, #tpu.memory_space<vmem>>
    %dma_wait3A_455 = arith.constant 0 : i32
    %dma_wait3A_456 = arith.constant 0 : i32
    %dma_wait3A_457 = tpu.memref_slice %arg3[%dma_wait3A_455, %dma_wait3A_456] : memref<16384x128xf32, #tpu.memory_space<hbm>> -> memref<16384x128xf32, #tpu.memory_space<hbm>>
    tpu.wait_indirect_dma semaphore(%arg9 : memref<!tpu.dma_semaphore, #tpu.memory_space<semaphore_mem>>) src(%dma_wait3A_457 : memref<16384x128xf32, #tpu.memory_space<hbm>>) dst(%dma_wait3A_451 : memref<32x128xf32, #tpu.memory_space<vmem>>)
    %add3A_458 = arith.constant 128 : i32
    %add3A_459 = arith.addi %mul3A_2, %add3A_458 : i32
    %run_scoped3A_460 = arith.constant 1 : i32
    "tpu.region"() ({
      %run_scoped3A_734 = tpu.sem_alloc : memref<!tpu.dma_semaphore, #tpu.memory_space<semaphore_mem>>
      %dma_start3A_735 = arith.constant 0 : i32
      %dma_start3A_736 = arith.constant 0 : i32
      %dma_start3A_737 = tpu.memref_slice %arg8[%run_scoped3A_460, %dma_start3A_735, %dma_start3A_736] : memref<3x32x128xf32, #tpu.memory_space<vmem>> -> memref<1x32x128xf32, #tpu.memory_space<vmem>>
      %dma_start3A_738 = tpu.memref_squeeze %dma_start3A_737 : memref<1x32x128xf32, #tpu.memory_space<vmem>> -> memref<32x128xf32, #tpu.memory_space<vmem>>
      %dma_start3A_739 = arith.constant 0 : i32
      %dma_start3A_740 = tpu.memref_slice %arg4[%add3A_459, %dma_start3A_739] : memref<16384x128xf32, #tpu.memory_space<hbm>> -> memref<32x128xf32, #tpu.memory_space<hbm>>
      %dma_start3A_741 = arith.constant 0 : i32
      %dma_start3A_742 = tpu.memref_slice %arg4[%add3A_459, %dma_start3A_741] : memref<16384x128xf32, #tpu.memory_space<hbm>> -> memref<32x128xf32, #tpu.memory_space<hbm>>
      %dma_start3A_743 = arith.constant 0 : i32
      %dma_start3A_744 = arith.constant 0 : i32
      %dma_start3A_745 = tpu.memref_slice %arg8[%run_scoped3A_460, %dma_start3A_743, %dma_start3A_744] : memref<3x32x128xf32, #tpu.memory_space<vmem>> -> memref<1x32x128xf32, #tpu.memory_space<vmem>>
      %dma_start3A_746 = tpu.memref_squeeze %dma_start3A_745 : memref<1x32x128xf32, #tpu.memory_space<vmem>> -> memref<32x128xf32, #tpu.memory_space<vmem>>
      tpu.enqueue_dma source(%dma_start3A_746 : memref<32x128xf32, #tpu.memory_space<vmem>>) target(%dma_start3A_742 : memref<32x128xf32, #tpu.memory_space<hbm>>) target_semaphore(%run_scoped3A_734 : memref<!tpu.dma_semaphore, #tpu.memory_space<semaphore_mem>>)
      %dma_wait3A_747 = arith.constant 0 : i32
      %dma_wait3A_748 = arith.constant 0 : i32
      %dma_wait3A_749 = tpu.memref_slice %arg8[%run_scoped3A_460, %dma_wait3A_747, %dma_wait3A_748] : memref<3x32x128xf32, #tpu.memory_space<vmem>> -> memref<1x32x128xf32, #tpu.memory_space<vmem>>
      %dma_wait3A_750 = tpu.memref_squeeze %dma_wait3A_749 : memref<1x32x128xf32, #tpu.memory_space<vmem>> -> memref<32x128xf32, #tpu.memory_space<vmem>>
      %dma_wait3A_751 = arith.constant 0 : i32
      %dma_wait3A_752 = tpu.memref_slice %arg4[%add3A_459, %dma_wait3A_751] : memref<16384x128xf32, #tpu.memory_space<hbm>> -> memref<32x128xf32, #tpu.memory_space<hbm>>
      %dma_wait3A_753 = arith.constant 0 : i32
      %dma_wait3A_754 = tpu.memref_slice %arg4[%add3A_459, %dma_wait3A_753] : memref<16384x128xf32, #tpu.memory_space<hbm>> -> memref<32x128xf32, #tpu.memory_space<hbm>>
      %dma_wait3A_755 = arith.constant 0 : i32
      %dma_wait3A_756 = arith.constant 0 : i32
      %dma_wait3A_757 = tpu.memref_slice %arg8[%run_scoped3A_460, %dma_wait3A_755, %dma_wait3A_756] : memref<3x32x128xf32, #tpu.memory_space<vmem>> -> memref<1x32x128xf32, #tpu.memory_space<vmem>>
      %dma_wait3A_758 = tpu.memref_squeeze %dma_wait3A_757 : memref<1x32x128xf32, #tpu.memory_space<vmem>> -> memref<32x128xf32, #tpu.memory_space<vmem>>
      tpu.wait_dma2 semaphore(%run_scoped3A_734 : memref<!tpu.dma_semaphore, #tpu.memory_space<semaphore_mem>>) src(%dma_wait3A_758 : memref<32x128xf32, #tpu.memory_space<vmem>>) dst(%dma_wait3A_754 : memref<32x128xf32, #tpu.memory_space<hbm>>)
      tpu.yield
    }) : () -> ()
    %dma_start3A_461 = arith.constant 7 : i32
    %dma_start3A_462 = arith.constant 1 : i32
    %dma_start3A_463 = arith.constant 0 : i32
    %dma_start3A_464 = arith.constant 0 : i32
    %dma_start3A_465 = tpu.memref_slice %arg8[%dma_start3A_462, %dma_start3A_463, %dma_start3A_464] : memref<3x32x128xf32, #tpu.memory_space<vmem>> -> memref<1x32x128xf32, #tpu.memory_space<vmem>>
    %dma_start3A_466 = tpu.memref_squeeze %dma_start3A_465 : memref<1x32x128xf32, #tpu.memory_space<vmem>> -> memref<32x128xf32, #tpu.memory_space<vmem>>
    %dma_start3A_467 = arith.constant 0 : i32
    %dma_start3A_468 = tpu.memref_slice %arg7[%dma_start3A_461, %dma_start3A_467] : memref<16x32xi32, #tpu.memory_space<vmem>> -> memref<1x32xi32, #tpu.memory_space<vmem>>
    %dma_start3A_469 = tpu.memref_squeeze %dma_start3A_468 : memref<1x32xi32, #tpu.memory_space<vmem>> -> memref<32xi32, #tpu.memory_space<vmem>>
    %dma_start3A_470 = arith.constant 0 : i32
    %dma_start3A_471 = arith.constant 0 : i32
    %dma_start3A_472 = tpu.memref_slice %arg3[%dma_start3A_470, %dma_start3A_471] : memref<16384x128xf32, #tpu.memory_space<hbm>> -> memref<16384x128xf32, #tpu.memory_space<hbm>>
    tpu.enqueue_indirect_dma source(%dma_start3A_472 : memref<16384x128xf32, #tpu.memory_space<hbm>>) target(%dma_start3A_466 : memref<32x128xf32, #tpu.memory_space<vmem>>) offsets(%dma_start3A_469 : memref<32xi32, #tpu.memory_space<vmem>>) semaphore(%arg9 : memref<!tpu.dma_semaphore, #tpu.memory_space<semaphore_mem>>)
    %dma_wait3A_473 = arith.constant 5 : i32
    %dma_wait3A_474 = arith.constant 2 : i32
    %dma_wait3A_475 = arith.constant 0 : i32
    %dma_wait3A_476 = arith.constant 0 : i32
    %dma_wait3A_477 = tpu.memref_slice %arg8[%dma_wait3A_474, %dma_wait3A_475, %dma_wait3A_476] : memref<3x32x128xf32, #tpu.memory_space<vmem>> -> memref<1x32x128xf32, #tpu.memory_space<vmem>>
    %dma_wait3A_478 = tpu.memref_squeeze %dma_wait3A_477 : memref<1x32x128xf32, #tpu.memory_space<vmem>> -> memref<32x128xf32, #tpu.memory_space<vmem>>
    %dma_wait3A_479 = arith.constant 0 : i32
    %dma_wait3A_480 = tpu.memref_slice %arg7[%dma_wait3A_473, %dma_wait3A_479] : memref<16x32xi32, #tpu.memory_space<vmem>> -> memref<1x32xi32, #tpu.memory_space<vmem>>
    %dma_wait3A_481 = tpu.memref_squeeze %dma_wait3A_480 : memref<1x32xi32, #tpu.memory_space<vmem>> -> memref<32xi32, #tpu.memory_space<vmem>>
    %dma_wait3A_482 = arith.constant 0 : i32
    %dma_wait3A_483 = arith.constant 0 : i32
    %dma_wait3A_484 = tpu.memref_slice %arg3[%dma_wait3A_482, %dma_wait3A_483] : memref<16384x128xf32, #tpu.memory_space<hbm>> -> memref<16384x128xf32, #tpu.memory_space<hbm>>
    tpu.wait_indirect_dma semaphore(%arg9 : memref<!tpu.dma_semaphore, #tpu.memory_space<semaphore_mem>>) src(%dma_wait3A_484 : memref<16384x128xf32, #tpu.memory_space<hbm>>) dst(%dma_wait3A_478 : memref<32x128xf32, #tpu.memory_space<vmem>>)
    %add3A_485 = arith.constant 160 : i32
    %add3A_486 = arith.addi %mul3A_2, %add3A_485 : i32
    %run_scoped3A_487 = arith.constant 2 : i32
    "tpu.region"() ({
      %run_scoped3A_734 = tpu.sem_alloc : memref<!tpu.dma_semaphore, #tpu.memory_space<semaphore_mem>>
      %dma_start3A_735 = arith.constant 0 : i32
      %dma_start3A_736 = arith.constant 0 : i32
      %dma_start3A_737 = tpu.memref_slice %arg8[%run_scoped3A_487, %dma_start3A_735, %dma_start3A_736] : memref<3x32x128xf32, #tpu.memory_space<vmem>> -> memref<1x32x128xf32, #tpu.memory_space<vmem>>
      %dma_start3A_738 = tpu.memref_squeeze %dma_start3A_737 : memref<1x32x128xf32, #tpu.memory_space<vmem>> -> memref<32x128xf32, #tpu.memory_space<vmem>>
      %dma_start3A_739 = arith.constant 0 : i32
      %dma_start3A_740 = tpu.memref_slice %arg4[%add3A_486, %dma_start3A_739] : memref<16384x128xf32, #tpu.memory_space<hbm>> -> memref<32x128xf32, #tpu.memory_space<hbm>>
      %dma_start3A_741 = arith.constant 0 : i32
      %dma_start3A_742 = tpu.memref_slice %arg4[%add3A_486, %dma_start3A_741] : memref<16384x128xf32, #tpu.memory_space<hbm>> -> memref<32x128xf32, #tpu.memory_space<hbm>>
      %dma_start3A_743 = arith.constant 0 : i32
      %dma_start3A_744 = arith.constant 0 : i32
      %dma_start3A_745 = tpu.memref_slice %arg8[%run_scoped3A_487, %dma_start3A_743, %dma_start3A_744] : memref<3x32x128xf32, #tpu.memory_space<vmem>> -> memref<1x32x128xf32, #tpu.memory_space<vmem>>
      %dma_start3A_746 = tpu.memref_squeeze %dma_start3A_745 : memref<1x32x128xf32, #tpu.memory_space<vmem>> -> memref<32x128xf32, #tpu.memory_space<vmem>>
      tpu.enqueue_dma source(%dma_start3A_746 : memref<32x128xf32, #tpu.memory_space<vmem>>) target(%dma_start3A_742 : memref<32x128xf32, #tpu.memory_space<hbm>>) target_semaphore(%run_scoped3A_734 : memref<!tpu.dma_semaphore, #tpu.memory_space<semaphore_mem>>)
      %dma_wait3A_747 = arith.constant 0 : i32
      %dma_wait3A_748 = arith.constant 0 : i32
      %dma_wait3A_749 = tpu.memref_slice %arg8[%run_scoped3A_487, %dma_wait3A_747, %dma_wait3A_748] : memref<3x32x128xf32, #tpu.memory_space<vmem>> -> memref<1x32x128xf32, #tpu.memory_space<vmem>>
      %dma_wait3A_750 = tpu.memref_squeeze %dma_wait3A_749 : memref<1x32x128xf32, #tpu.memory_space<vmem>> -> memref<32x128xf32, #tpu.memory_space<vmem>>
      %dma_wait3A_751 = arith.constant 0 : i32
      %dma_wait3A_752 = tpu.memref_slice %arg4[%add3A_486, %dma_wait3A_751] : memref<16384x128xf32, #tpu.memory_space<hbm>> -> memref<32x128xf32, #tpu.memory_space<hbm>>
      %dma_wait3A_753 = arith.constant 0 : i32
      %dma_wait3A_754 = tpu.memref_slice %arg4[%add3A_486, %dma_wait3A_753] : memref<16384x128xf32, #tpu.memory_space<hbm>> -> memref<32x128xf32, #tpu.memory_space<hbm>>
      %dma_wait3A_755 = arith.constant 0 : i32
      %dma_wait3A_756 = arith.constant 0 : i32
      %dma_wait3A_757 = tpu.memref_slice %arg8[%run_scoped3A_487, %dma_wait3A_755, %dma_wait3A_756] : memref<3x32x128xf32, #tpu.memory_space<vmem>> -> memref<1x32x128xf32, #tpu.memory_space<vmem>>
      %dma_wait3A_758 = tpu.memref_squeeze %dma_wait3A_757 : memref<1x32x128xf32, #tpu.memory_space<vmem>> -> memref<32x128xf32, #tpu.memory_space<vmem>>
      tpu.wait_dma2 semaphore(%run_scoped3A_734 : memref<!tpu.dma_semaphore, #tpu.memory_space<semaphore_mem>>) src(%dma_wait3A_758 : memref<32x128xf32, #tpu.memory_space<vmem>>) dst(%dma_wait3A_754 : memref<32x128xf32, #tpu.memory_space<hbm>>)
      tpu.yield
    }) : () -> ()
    %dma_start3A_488 = arith.constant 8 : i32
    %dma_start3A_489 = arith.constant 2 : i32
    %dma_start3A_490 = arith.constant 0 : i32
    %dma_start3A_491 = arith.constant 0 : i32
    %dma_start3A_492 = tpu.memref_slice %arg8[%dma_start3A_489, %dma_start3A_490, %dma_start3A_491] : memref<3x32x128xf32, #tpu.memory_space<vmem>> -> memref<1x32x128xf32, #tpu.memory_space<vmem>>
    %dma_start3A_493 = tpu.memref_squeeze %dma_start3A_492 : memref<1x32x128xf32, #tpu.memory_space<vmem>> -> memref<32x128xf32, #tpu.memory_space<vmem>>
    %dma_start3A_494 = arith.constant 0 : i32
    %dma_start3A_495 = tpu.memref_slice %arg7[%dma_start3A_488, %dma_start3A_494] : memref<16x32xi32, #tpu.memory_space<vmem>> -> memref<1x32xi32, #tpu.memory_space<vmem>>
    %dma_start3A_496 = tpu.memref_squeeze %dma_start3A_495 : memref<1x32xi32, #tpu.memory_space<vmem>> -> memref<32xi32, #tpu.memory_space<vmem>>
    %dma_start3A_497 = arith.constant 0 : i32
    %dma_start3A_498 = arith.constant 0 : i32
    %dma_start3A_499 = tpu.memref_slice %arg3[%dma_start3A_497, %dma_start3A_498] : memref<16384x128xf32, #tpu.memory_space<hbm>> -> memref<16384x128xf32, #tpu.memory_space<hbm>>
    tpu.enqueue_indirect_dma source(%dma_start3A_499 : memref<16384x128xf32, #tpu.memory_space<hbm>>) target(%dma_start3A_493 : memref<32x128xf32, #tpu.memory_space<vmem>>) offsets(%dma_start3A_496 : memref<32xi32, #tpu.memory_space<vmem>>) semaphore(%arg9 : memref<!tpu.dma_semaphore, #tpu.memory_space<semaphore_mem>>)
    %dma_wait3A_500 = arith.constant 6 : i32
    %dma_wait3A_501 = arith.constant 0 : i32
    %dma_wait3A_502 = arith.constant 0 : i32
    %dma_wait3A_503 = arith.constant 0 : i32
    %dma_wait3A_504 = tpu.memref_slice %arg8[%dma_wait3A_501, %dma_wait3A_502, %dma_wait3A_503] : memref<3x32x128xf32, #tpu.memory_space<vmem>> -> memref<1x32x128xf32, #tpu.memory_space<vmem>>
    %dma_wait3A_505 = tpu.memref_squeeze %dma_wait3A_504 : memref<1x32x128xf32, #tpu.memory_space<vmem>> -> memref<32x128xf32, #tpu.memory_space<vmem>>
    %dma_wait3A_506 = arith.constant 0 : i32
    %dma_wait3A_507 = tpu.memref_slice %arg7[%dma_wait3A_500, %dma_wait3A_506] : memref<16x32xi32, #tpu.memory_space<vmem>> -> memref<1x32xi32, #tpu.memory_space<vmem>>
    %dma_wait3A_508 = tpu.memref_squeeze %dma_wait3A_507 : memref<1x32xi32, #tpu.memory_space<vmem>> -> memref<32xi32, #tpu.memory_space<vmem>>
    %dma_wait3A_509 = arith.constant 0 : i32
    %dma_wait3A_510 = arith.constant 0 : i32
    %dma_wait3A_511 = tpu.memref_slice %arg3[%dma_wait3A_509, %dma_wait3A_510] : memref<16384x128xf32, #tpu.memory_space<hbm>> -> memref<16384x128xf32, #tpu.memory_space<hbm>>
    tpu.wait_indirect_dma semaphore(%arg9 : memref<!tpu.dma_semaphore, #tpu.memory_space<semaphore_mem>>) src(%dma_wait3A_511 : memref<16384x128xf32, #tpu.memory_space<hbm>>) dst(%dma_wait3A_505 : memref<32x128xf32, #tpu.memory_space<vmem>>)
    %add3A_512 = arith.constant 192 : i32
    %add3A_513 = arith.addi %mul3A_2, %add3A_512 : i32
    %run_scoped3A_514 = arith.constant 0 : i32
    "tpu.region"() ({
      %run_scoped3A_734 = tpu.sem_alloc : memref<!tpu.dma_semaphore, #tpu.memory_space<semaphore_mem>>
      %dma_start3A_735 = arith.constant 0 : i32
      %dma_start3A_736 = arith.constant 0 : i32
      %dma_start3A_737 = tpu.memref_slice %arg8[%run_scoped3A_514, %dma_start3A_735, %dma_start3A_736] : memref<3x32x128xf32, #tpu.memory_space<vmem>> -> memref<1x32x128xf32, #tpu.memory_space<vmem>>
      %dma_start3A_738 = tpu.memref_squeeze %dma_start3A_737 : memref<1x32x128xf32, #tpu.memory_space<vmem>> -> memref<32x128xf32, #tpu.memory_space<vmem>>
      %dma_start3A_739 = arith.constant 0 : i32
      %dma_start3A_740 = tpu.memref_slice %arg4[%add3A_513, %dma_start3A_739] : memref<16384x128xf32, #tpu.memory_space<hbm>> -> memref<32x128xf32, #tpu.memory_space<hbm>>
      %dma_start3A_741 = arith.constant 0 : i32
      %dma_start3A_742 = tpu.memref_slice %arg4[%add3A_513, %dma_start3A_741] : memref<16384x128xf32, #tpu.memory_space<hbm>> -> memref<32x128xf32, #tpu.memory_space<hbm>>
      %dma_start3A_743 = arith.constant 0 : i32
      %dma_start3A_744 = arith.constant 0 : i32
      %dma_start3A_745 = tpu.memref_slice %arg8[%run_scoped3A_514, %dma_start3A_743, %dma_start3A_744] : memref<3x32x128xf32, #tpu.memory_space<vmem>> -> memref<1x32x128xf32, #tpu.memory_space<vmem>>
      %dma_start3A_746 = tpu.memref_squeeze %dma_start3A_745 : memref<1x32x128xf32, #tpu.memory_space<vmem>> -> memref<32x128xf32, #tpu.memory_space<vmem>>
      tpu.enqueue_dma source(%dma_start3A_746 : memref<32x128xf32, #tpu.memory_space<vmem>>) target(%dma_start3A_742 : memref<32x128xf32, #tpu.memory_space<hbm>>) target_semaphore(%run_scoped3A_734 : memref<!tpu.dma_semaphore, #tpu.memory_space<semaphore_mem>>)
      %dma_wait3A_747 = arith.constant 0 : i32
      %dma_wait3A_748 = arith.constant 0 : i32
      %dma_wait3A_749 = tpu.memref_slice %arg8[%run_scoped3A_514, %dma_wait3A_747, %dma_wait3A_748] : memref<3x32x128xf32, #tpu.memory_space<vmem>> -> memref<1x32x128xf32, #tpu.memory_space<vmem>>
      %dma_wait3A_750 = tpu.memref_squeeze %dma_wait3A_749 : memref<1x32x128xf32, #tpu.memory_space<vmem>> -> memref<32x128xf32, #tpu.memory_space<vmem>>
      %dma_wait3A_751 = arith.constant 0 : i32
      %dma_wait3A_752 = tpu.memref_slice %arg4[%add3A_513, %dma_wait3A_751] : memref<16384x128xf32, #tpu.memory_space<hbm>> -> memref<32x128xf32, #tpu.memory_space<hbm>>
      %dma_wait3A_753 = arith.constant 0 : i32
      %dma_wait3A_754 = tpu.memref_slice %arg4[%add3A_513, %dma_wait3A_753] : memref<16384x128xf32, #tpu.memory_space<hbm>> -> memref<32x128xf32, #tpu.memory_space<hbm>>
      %dma_wait3A_755 = arith.constant 0 : i32
      %dma_wait3A_756 = arith.constant 0 : i32
      %dma_wait3A_757 = tpu.memref_slice %arg8[%run_scoped3A_514, %dma_wait3A_755, %dma_wait3A_756] : memref<3x32x128xf32, #tpu.memory_space<vmem>> -> memref<1x32x128xf32, #tpu.memory_space<vmem>>
      %dma_wait3A_758 = tpu.memref_squeeze %dma_wait3A_757 : memref<1x32x128xf32, #tpu.memory_space<vmem>> -> memref<32x128xf32, #tpu.memory_space<vmem>>
      tpu.wait_dma2 semaphore(%run_scoped3A_734 : memref<!tpu.dma_semaphore, #tpu.memory_space<semaphore_mem>>) src(%dma_wait3A_758 : memref<32x128xf32, #tpu.memory_space<vmem>>) dst(%dma_wait3A_754 : memref<32x128xf32, #tpu.memory_space<hbm>>)
      tpu.yield
    }) : () -> ()
    %dma_start3A_515 = arith.constant 9 : i32
    %dma_start3A_516 = arith.constant 0 : i32
    %dma_start3A_517 = arith.constant 0 : i32
    %dma_start3A_518 = arith.constant 0 : i32
    %dma_start3A_519 = tpu.memref_slice %arg8[%dma_start3A_516, %dma_start3A_517, %dma_start3A_518] : memref<3x32x128xf32, #tpu.memory_space<vmem>> -> memref<1x32x128xf32, #tpu.memory_space<vmem>>
    %dma_start3A_520 = tpu.memref_squeeze %dma_start3A_519 : memref<1x32x128xf32, #tpu.memory_space<vmem>> -> memref<32x128xf32, #tpu.memory_space<vmem>>
    %dma_start3A_521 = arith.constant 0 : i32
    %dma_start3A_522 = tpu.memref_slice %arg7[%dma_start3A_515, %dma_start3A_521] : memref<16x32xi32, #tpu.memory_space<vmem>> -> memref<1x32xi32, #tpu.memory_space<vmem>>
    %dma_start3A_523 = tpu.memref_squeeze %dma_start3A_522 : memref<1x32xi32, #tpu.memory_space<vmem>> -> memref<32xi32, #tpu.memory_space<vmem>>
    %dma_start3A_524 = arith.constant 0 : i32
    %dma_start3A_525 = arith.constant 0 : i32
    %dma_start3A_526 = tpu.memref_slice %arg3[%dma_start3A_524, %dma_start3A_525] : memref<16384x128xf32, #tpu.memory_space<hbm>> -> memref<16384x128xf32, #tpu.memory_space<hbm>>
    tpu.enqueue_indirect_dma source(%dma_start3A_526 : memref<16384x128xf32, #tpu.memory_space<hbm>>) target(%dma_start3A_520 : memref<32x128xf32, #tpu.memory_space<vmem>>) offsets(%dma_start3A_523 : memref<32xi32, #tpu.memory_space<vmem>>) semaphore(%arg9 : memref<!tpu.dma_semaphore, #tpu.memory_space<semaphore_mem>>)
    %dma_wait3A_527 = arith.constant 7 : i32
    %dma_wait3A_528 = arith.constant 1 : i32
    %dma_wait3A_529 = arith.constant 0 : i32
    %dma_wait3A_530 = arith.constant 0 : i32
    %dma_wait3A_531 = tpu.memref_slice %arg8[%dma_wait3A_528, %dma_wait3A_529, %dma_wait3A_530] : memref<3x32x128xf32, #tpu.memory_space<vmem>> -> memref<1x32x128xf32, #tpu.memory_space<vmem>>
    %dma_wait3A_532 = tpu.memref_squeeze %dma_wait3A_531 : memref<1x32x128xf32, #tpu.memory_space<vmem>> -> memref<32x128xf32, #tpu.memory_space<vmem>>
    %dma_wait3A_533 = arith.constant 0 : i32
    %dma_wait3A_534 = tpu.memref_slice %arg7[%dma_wait3A_527, %dma_wait3A_533] : memref<16x32xi32, #tpu.memory_space<vmem>> -> memref<1x32xi32, #tpu.memory_space<vmem>>
    %dma_wait3A_535 = tpu.memref_squeeze %dma_wait3A_534 : memref<1x32xi32, #tpu.memory_space<vmem>> -> memref<32xi32, #tpu.memory_space<vmem>>
    %dma_wait3A_536 = arith.constant 0 : i32
    %dma_wait3A_537 = arith.constant 0 : i32
    %dma_wait3A_538 = tpu.memref_slice %arg3[%dma_wait3A_536, %dma_wait3A_537] : memref<16384x128xf32, #tpu.memory_space<hbm>> -> memref<16384x128xf32, #tpu.memory_space<hbm>>
    tpu.wait_indirect_dma semaphore(%arg9 : memref<!tpu.dma_semaphore, #tpu.memory_space<semaphore_mem>>) src(%dma_wait3A_538 : memref<16384x128xf32, #tpu.memory_space<hbm>>) dst(%dma_wait3A_532 : memref<32x128xf32, #tpu.memory_space<vmem>>)
    %add3A_539 = arith.constant 224 : i32
    %add3A_540 = arith.addi %mul3A_2, %add3A_539 : i32
    %run_scoped3A_541 = arith.constant 1 : i32
    "tpu.region"() ({
      %run_scoped3A_734 = tpu.sem_alloc : memref<!tpu.dma_semaphore, #tpu.memory_space<semaphore_mem>>
      %dma_start3A_735 = arith.constant 0 : i32
      %dma_start3A_736 = arith.constant 0 : i32
      %dma_start3A_737 = tpu.memref_slice %arg8[%run_scoped3A_541, %dma_start3A_735, %dma_start3A_736] : memref<3x32x128xf32, #tpu.memory_space<vmem>> -> memref<1x32x128xf32, #tpu.memory_space<vmem>>
      %dma_start3A_738 = tpu.memref_squeeze %dma_start3A_737 : memref<1x32x128xf32, #tpu.memory_space<vmem>> -> memref<32x128xf32, #tpu.memory_space<vmem>>
      %dma_start3A_739 = arith.constant 0 : i32
      %dma_start3A_740 = tpu.memref_slice %arg4[%add3A_540, %dma_start3A_739] : memref<16384x128xf32, #tpu.memory_space<hbm>> -> memref<32x128xf32, #tpu.memory_space<hbm>>
      %dma_start3A_741 = arith.constant 0 : i32
      %dma_start3A_742 = tpu.memref_slice %arg4[%add3A_540, %dma_start3A_741] : memref<16384x128xf32, #tpu.memory_space<hbm>> -> memref<32x128xf32, #tpu.memory_space<hbm>>
      %dma_start3A_743 = arith.constant 0 : i32
      %dma_start3A_744 = arith.constant 0 : i32
      %dma_start3A_745 = tpu.memref_slice %arg8[%run_scoped3A_541, %dma_start3A_743, %dma_start3A_744] : memref<3x32x128xf32, #tpu.memory_space<vmem>> -> memref<1x32x128xf32, #tpu.memory_space<vmem>>
      %dma_start3A_746 = tpu.memref_squeeze %dma_start3A_745 : memref<1x32x128xf32, #tpu.memory_space<vmem>> -> memref<32x128xf32, #tpu.memory_space<vmem>>
      tpu.enqueue_dma source(%dma_start3A_746 : memref<32x128xf32, #tpu.memory_space<vmem>>) target(%dma_start3A_742 : memref<32x128xf32, #tpu.memory_space<hbm>>) target_semaphore(%run_scoped3A_734 : memref<!tpu.dma_semaphore, #tpu.memory_space<semaphore_mem>>)
      %dma_wait3A_747 = arith.constant 0 : i32
      %dma_wait3A_748 = arith.constant 0 : i32
      %dma_wait3A_749 = tpu.memref_slice %arg8[%run_scoped3A_541, %dma_wait3A_747, %dma_wait3A_748] : memref<3x32x128xf32, #tpu.memory_space<vmem>> -> memref<1x32x128xf32, #tpu.memory_space<vmem>>
      %dma_wait3A_750 = tpu.memref_squeeze %dma_wait3A_749 : memref<1x32x128xf32, #tpu.memory_space<vmem>> -> memref<32x128xf32, #tpu.memory_space<vmem>>
      %dma_wait3A_751 = arith.constant 0 : i32
      %dma_wait3A_752 = tpu.memref_slice %arg4[%add3A_540, %dma_wait3A_751] : memref<16384x128xf32, #tpu.memory_space<hbm>> -> memref<32x128xf32, #tpu.memory_space<hbm>>
      %dma_wait3A_753 = arith.constant 0 : i32
      %dma_wait3A_754 = tpu.memref_slice %arg4[%add3A_540, %dma_wait3A_753] : memref<16384x128xf32, #tpu.memory_space<hbm>> -> memref<32x128xf32, #tpu.memory_space<hbm>>
      %dma_wait3A_755 = arith.constant 0 : i32
      %dma_wait3A_756 = arith.constant 0 : i32
      %dma_wait3A_757 = tpu.memref_slice %arg8[%run_scoped3A_541, %dma_wait3A_755, %dma_wait3A_756] : memref<3x32x128xf32, #tpu.memory_space<vmem>> -> memref<1x32x128xf32, #tpu.memory_space<vmem>>
      %dma_wait3A_758 = tpu.memref_squeeze %dma_wait3A_757 : memref<1x32x128xf32, #tpu.memory_space<vmem>> -> memref<32x128xf32, #tpu.memory_space<vmem>>
      tpu.wait_dma2 semaphore(%run_scoped3A_734 : memref<!tpu.dma_semaphore, #tpu.memory_space<semaphore_mem>>) src(%dma_wait3A_758 : memref<32x128xf32, #tpu.memory_space<vmem>>) dst(%dma_wait3A_754 : memref<32x128xf32, #tpu.memory_space<hbm>>)
      tpu.yield
    }) : () -> ()
    %dma_start3A_542 = arith.constant 10 : i32
    %dma_start3A_543 = arith.constant 1 : i32
    %dma_start3A_544 = arith.constant 0 : i32
    %dma_start3A_545 = arith.constant 0 : i32
    %dma_start3A_546 = tpu.memref_slice %arg8[%dma_start3A_543, %dma_start3A_544, %dma_start3A_545] : memref<3x32x128xf32, #tpu.memory_space<vmem>> -> memref<1x32x128xf32, #tpu.memory_space<vmem>>
    %dma_start3A_547 = tpu.memref_squeeze %dma_start3A_546 : memref<1x32x128xf32, #tpu.memory_space<vmem>> -> memref<32x128xf32, #tpu.memory_space<vmem>>
    %dma_start3A_548 = arith.constant 0 : i32
    %dma_start3A_549 = tpu.memref_slice %arg7[%dma_start3A_542, %dma_start3A_548] : memref<16x32xi32, #tpu.memory_space<vmem>> -> memref<1x32xi32, #tpu.memory_space<vmem>>
    %dma_start3A_550 = tpu.memref_squeeze %dma_start3A_549 : memref<1x32xi32, #tpu.memory_space<vmem>> -> memref<32xi32, #tpu.memory_space<vmem>>
    %dma_start3A_551 = arith.constant 0 : i32
    %dma_start3A_552 = arith.constant 0 : i32
    %dma_start3A_553 = tpu.memref_slice %arg3[%dma_start3A_551, %dma_start3A_552] : memref<16384x128xf32, #tpu.memory_space<hbm>> -> memref<16384x128xf32, #tpu.memory_space<hbm>>
    tpu.enqueue_indirect_dma source(%dma_start3A_553 : memref<16384x128xf32, #tpu.memory_space<hbm>>) target(%dma_start3A_547 : memref<32x128xf32, #tpu.memory_space<vmem>>) offsets(%dma_start3A_550 : memref<32xi32, #tpu.memory_space<vmem>>) semaphore(%arg9 : memref<!tpu.dma_semaphore, #tpu.memory_space<semaphore_mem>>)
    %dma_wait3A_554 = arith.constant 8 : i32
    %dma_wait3A_555 = arith.constant 2 : i32
    %dma_wait3A_556 = arith.constant 0 : i32
    %dma_wait3A_557 = arith.constant 0 : i32
    %dma_wait3A_558 = tpu.memref_slice %arg8[%dma_wait3A_555, %dma_wait3A_556, %dma_wait3A_557] : memref<3x32x128xf32, #tpu.memory_space<vmem>> -> memref<1x32x128xf32, #tpu.memory_space<vmem>>
    %dma_wait3A_559 = tpu.memref_squeeze %dma_wait3A_558 : memref<1x32x128xf32, #tpu.memory_space<vmem>> -> memref<32x128xf32, #tpu.memory_space<vmem>>
    %dma_wait3A_560 = arith.constant 0 : i32
    %dma_wait3A_561 = tpu.memref_slice %arg7[%dma_wait3A_554, %dma_wait3A_560] : memref<16x32xi32, #tpu.memory_space<vmem>> -> memref<1x32xi32, #tpu.memory_space<vmem>>
    %dma_wait3A_562 = tpu.memref_squeeze %dma_wait3A_561 : memref<1x32xi32, #tpu.memory_space<vmem>> -> memref<32xi32, #tpu.memory_space<vmem>>
    %dma_wait3A_563 = arith.constant 0 : i32
    %dma_wait3A_564 = arith.constant 0 : i32
    %dma_wait3A_565 = tpu.memref_slice %arg3[%dma_wait3A_563, %dma_wait3A_564] : memref<16384x128xf32, #tpu.memory_space<hbm>> -> memref<16384x128xf32, #tpu.memory_space<hbm>>
    tpu.wait_indirect_dma semaphore(%arg9 : memref<!tpu.dma_semaphore, #tpu.memory_space<semaphore_mem>>) src(%dma_wait3A_565 : memref<16384x128xf32, #tpu.memory_space<hbm>>) dst(%dma_wait3A_559 : memref<32x128xf32, #tpu.memory_space<vmem>>)
    %add3A_566 = arith.constant 256 : i32
    %add3A_567 = arith.addi %mul3A_2, %add3A_566 : i32
    %run_scoped3A_568 = arith.constant 2 : i32
    "tpu.region"() ({
      %run_scoped3A_734 = tpu.sem_alloc : memref<!tpu.dma_semaphore, #tpu.memory_space<semaphore_mem>>
      %dma_start3A_735 = arith.constant 0 : i32
      %dma_start3A_736 = arith.constant 0 : i32
      %dma_start3A_737 = tpu.memref_slice %arg8[%run_scoped3A_568, %dma_start3A_735, %dma_start3A_736] : memref<3x32x128xf32, #tpu.memory_space<vmem>> -> memref<1x32x128xf32, #tpu.memory_space<vmem>>
      %dma_start3A_738 = tpu.memref_squeeze %dma_start3A_737 : memref<1x32x128xf32, #tpu.memory_space<vmem>> -> memref<32x128xf32, #tpu.memory_space<vmem>>
      %dma_start3A_739 = arith.constant 0 : i32
      %dma_start3A_740 = tpu.memref_slice %arg4[%add3A_567, %dma_start3A_739] : memref<16384x128xf32, #tpu.memory_space<hbm>> -> memref<32x128xf32, #tpu.memory_space<hbm>>
      %dma_start3A_741 = arith.constant 0 : i32
      %dma_start3A_742 = tpu.memref_slice %arg4[%add3A_567, %dma_start3A_741] : memref<16384x128xf32, #tpu.memory_space<hbm>> -> memref<32x128xf32, #tpu.memory_space<hbm>>
      %dma_start3A_743 = arith.constant 0 : i32
      %dma_start3A_744 = arith.constant 0 : i32
      %dma_start3A_745 = tpu.memref_slice %arg8[%run_scoped3A_568, %dma_start3A_743, %dma_start3A_744] : memref<3x32x128xf32, #tpu.memory_space<vmem>> -> memref<1x32x128xf32, #tpu.memory_space<vmem>>
      %dma_start3A_746 = tpu.memref_squeeze %dma_start3A_745 : memref<1x32x128xf32, #tpu.memory_space<vmem>> -> memref<32x128xf32, #tpu.memory_space<vmem>>
      tpu.enqueue_dma source(%dma_start3A_746 : memref<32x128xf32, #tpu.memory_space<vmem>>) target(%dma_start3A_742 : memref<32x128xf32, #tpu.memory_space<hbm>>) target_semaphore(%run_scoped3A_734 : memref<!tpu.dma_semaphore, #tpu.memory_space<semaphore_mem>>)
      %dma_wait3A_747 = arith.constant 0 : i32
      %dma_wait3A_748 = arith.constant 0 : i32
      %dma_wait3A_749 = tpu.memref_slice %arg8[%run_scoped3A_568, %dma_wait3A_747, %dma_wait3A_748] : memref<3x32x128xf32, #tpu.memory_space<vmem>> -> memref<1x32x128xf32, #tpu.memory_space<vmem>>
      %dma_wait3A_750 = tpu.memref_squeeze %dma_wait3A_749 : memref<1x32x128xf32, #tpu.memory_space<vmem>> -> memref<32x128xf32, #tpu.memory_space<vmem>>
      %dma_wait3A_751 = arith.constant 0 : i32
      %dma_wait3A_752 = tpu.memref_slice %arg4[%add3A_567, %dma_wait3A_751] : memref<16384x128xf32, #tpu.memory_space<hbm>> -> memref<32x128xf32, #tpu.memory_space<hbm>>
      %dma_wait3A_753 = arith.constant 0 : i32
      %dma_wait3A_754 = tpu.memref_slice %arg4[%add3A_567, %dma_wait3A_753] : memref<16384x128xf32, #tpu.memory_space<hbm>> -> memref<32x128xf32, #tpu.memory_space<hbm>>
      %dma_wait3A_755 = arith.constant 0 : i32
      %dma_wait3A_756 = arith.constant 0 : i32
      %dma_wait3A_757 = tpu.memref_slice %arg8[%run_scoped3A_568, %dma_wait3A_755, %dma_wait3A_756] : memref<3x32x128xf32, #tpu.memory_space<vmem>> -> memref<1x32x128xf32, #tpu.memory_space<vmem>>
      %dma_wait3A_758 = tpu.memref_squeeze %dma_wait3A_757 : memref<1x32x128xf32, #tpu.memory_space<vmem>> -> memref<32x128xf32, #tpu.memory_space<vmem>>
      tpu.wait_dma2 semaphore(%run_scoped3A_734 : memref<!tpu.dma_semaphore, #tpu.memory_space<semaphore_mem>>) src(%dma_wait3A_758 : memref<32x128xf32, #tpu.memory_space<vmem>>) dst(%dma_wait3A_754 : memref<32x128xf32, #tpu.memory_space<hbm>>)
      tpu.yield
    }) : () -> ()
    %dma_start3A_569 = arith.constant 11 : i32
    %dma_start3A_570 = arith.constant 2 : i32
    %dma_start3A_571 = arith.constant 0 : i32
    %dma_start3A_572 = arith.constant 0 : i32
    %dma_start3A_573 = tpu.memref_slice %arg8[%dma_start3A_570, %dma_start3A_571, %dma_start3A_572] : memref<3x32x128xf32, #tpu.memory_space<vmem>> -> memref<1x32x128xf32, #tpu.memory_space<vmem>>
    %dma_start3A_574 = tpu.memref_squeeze %dma_start3A_573 : memref<1x32x128xf32, #tpu.memory_space<vmem>> -> memref<32x128xf32, #tpu.memory_space<vmem>>
    %dma_start3A_575 = arith.constant 0 : i32
    %dma_start3A_576 = tpu.memref_slice %arg7[%dma_start3A_569, %dma_start3A_575] : memref<16x32xi32, #tpu.memory_space<vmem>> -> memref<1x32xi32, #tpu.memory_space<vmem>>
    %dma_start3A_577 = tpu.memref_squeeze %dma_start3A_576 : memref<1x32xi32, #tpu.memory_space<vmem>> -> memref<32xi32, #tpu.memory_space<vmem>>
    %dma_start3A_578 = arith.constant 0 : i32
    %dma_start3A_579 = arith.constant 0 : i32
    %dma_start3A_580 = tpu.memref_slice %arg3[%dma_start3A_578, %dma_start3A_579] : memref<16384x128xf32, #tpu.memory_space<hbm>> -> memref<16384x128xf32, #tpu.memory_space<hbm>>
    tpu.enqueue_indirect_dma source(%dma_start3A_580 : memref<16384x128xf32, #tpu.memory_space<hbm>>) target(%dma_start3A_574 : memref<32x128xf32, #tpu.memory_space<vmem>>) offsets(%dma_start3A_577 : memref<32xi32, #tpu.memory_space<vmem>>) semaphore(%arg9 : memref<!tpu.dma_semaphore, #tpu.memory_space<semaphore_mem>>)
    %dma_wait3A_581 = arith.constant 9 : i32
    %dma_wait3A_582 = arith.constant 0 : i32
    %dma_wait3A_583 = arith.constant 0 : i32
    %dma_wait3A_584 = arith.constant 0 : i32
    %dma_wait3A_585 = tpu.memref_slice %arg8[%dma_wait3A_582, %dma_wait3A_583, %dma_wait3A_584] : memref<3x32x128xf32, #tpu.memory_space<vmem>> -> memref<1x32x128xf32, #tpu.memory_space<vmem>>
    %dma_wait3A_586 = tpu.memref_squeeze %dma_wait3A_585 : memref<1x32x128xf32, #tpu.memory_space<vmem>> -> memref<32x128xf32, #tpu.memory_space<vmem>>
    %dma_wait3A_587 = arith.constant 0 : i32
    %dma_wait3A_588 = tpu.memref_slice %arg7[%dma_wait3A_581, %dma_wait3A_587] : memref<16x32xi32, #tpu.memory_space<vmem>> -> memref<1x32xi32, #tpu.memory_space<vmem>>
    %dma_wait3A_589 = tpu.memref_squeeze %dma_wait3A_588 : memref<1x32xi32, #tpu.memory_space<vmem>> -> memref<32xi32, #tpu.memory_space<vmem>>
    %dma_wait3A_590 = arith.constant 0 : i32
    %dma_wait3A_591 = arith.constant 0 : i32
    %dma_wait3A_592 = tpu.memref_slice %arg3[%dma_wait3A_590, %dma_wait3A_591] : memref<16384x128xf32, #tpu.memory_space<hbm>> -> memref<16384x128xf32, #tpu.memory_space<hbm>>
    tpu.wait_indirect_dma semaphore(%arg9 : memref<!tpu.dma_semaphore, #tpu.memory_space<semaphore_mem>>) src(%dma_wait3A_592 : memref<16384x128xf32, #tpu.memory_space<hbm>>) dst(%dma_wait3A_586 : memref<32x128xf32, #tpu.memory_space<vmem>>)
    %add3A_593 = arith.constant 288 : i32
    %add3A_594 = arith.addi %mul3A_2, %add3A_593 : i32
    %run_scoped3A_595 = arith.constant 0 : i32
    "tpu.region"() ({
      %run_scoped3A_734 = tpu.sem_alloc : memref<!tpu.dma_semaphore, #tpu.memory_space<semaphore_mem>>
      %dma_start3A_735 = arith.constant 0 : i32
      %dma_start3A_736 = arith.constant 0 : i32
      %dma_start3A_737 = tpu.memref_slice %arg8[%run_scoped3A_595, %dma_start3A_735, %dma_start3A_736] : memref<3x32x128xf32, #tpu.memory_space<vmem>> -> memref<1x32x128xf32, #tpu.memory_space<vmem>>
      %dma_start3A_738 = tpu.memref_squeeze %dma_start3A_737 : memref<1x32x128xf32, #tpu.memory_space<vmem>> -> memref<32x128xf32, #tpu.memory_space<vmem>>
      %dma_start3A_739 = arith.constant 0 : i32
      %dma_start3A_740 = tpu.memref_slice %arg4[%add3A_594, %dma_start3A_739] : memref<16384x128xf32, #tpu.memory_space<hbm>> -> memref<32x128xf32, #tpu.memory_space<hbm>>
      %dma_start3A_741 = arith.constant 0 : i32
      %dma_start3A_742 = tpu.memref_slice %arg4[%add3A_594, %dma_start3A_741] : memref<16384x128xf32, #tpu.memory_space<hbm>> -> memref<32x128xf32, #tpu.memory_space<hbm>>
      %dma_start3A_743 = arith.constant 0 : i32
      %dma_start3A_744 = arith.constant 0 : i32
      %dma_start3A_745 = tpu.memref_slice %arg8[%run_scoped3A_595, %dma_start3A_743, %dma_start3A_744] : memref<3x32x128xf32, #tpu.memory_space<vmem>> -> memref<1x32x128xf32, #tpu.memory_space<vmem>>
      %dma_start3A_746 = tpu.memref_squeeze %dma_start3A_745 : memref<1x32x128xf32, #tpu.memory_space<vmem>> -> memref<32x128xf32, #tpu.memory_space<vmem>>
      tpu.enqueue_dma source(%dma_start3A_746 : memref<32x128xf32, #tpu.memory_space<vmem>>) target(%dma_start3A_742 : memref<32x128xf32, #tpu.memory_space<hbm>>) target_semaphore(%run_scoped3A_734 : memref<!tpu.dma_semaphore, #tpu.memory_space<semaphore_mem>>)
      %dma_wait3A_747 = arith.constant 0 : i32
      %dma_wait3A_748 = arith.constant 0 : i32
      %dma_wait3A_749 = tpu.memref_slice %arg8[%run_scoped3A_595, %dma_wait3A_747, %dma_wait3A_748] : memref<3x32x128xf32, #tpu.memory_space<vmem>> -> memref<1x32x128xf32, #tpu.memory_space<vmem>>
      %dma_wait3A_750 = tpu.memref_squeeze %dma_wait3A_749 : memref<1x32x128xf32, #tpu.memory_space<vmem>> -> memref<32x128xf32, #tpu.memory_space<vmem>>
      %dma_wait3A_751 = arith.constant 0 : i32
      %dma_wait3A_752 = tpu.memref_slice %arg4[%add3A_594, %dma_wait3A_751] : memref<16384x128xf32, #tpu.memory_space<hbm>> -> memref<32x128xf32, #tpu.memory_space<hbm>>
      %dma_wait3A_753 = arith.constant 0 : i32
      %dma_wait3A_754 = tpu.memref_slice %arg4[%add3A_594, %dma_wait3A_753] : memref<16384x128xf32, #tpu.memory_space<hbm>> -> memref<32x128xf32, #tpu.memory_space<hbm>>
      %dma_wait3A_755 = arith.constant 0 : i32
      %dma_wait3A_756 = arith.constant 0 : i32
      %dma_wait3A_757 = tpu.memref_slice %arg8[%run_scoped3A_595, %dma_wait3A_755, %dma_wait3A_756] : memref<3x32x128xf32, #tpu.memory_space<vmem>> -> memref<1x32x128xf32, #tpu.memory_space<vmem>>
      %dma_wait3A_758 = tpu.memref_squeeze %dma_wait3A_757 : memref<1x32x128xf32, #tpu.memory_space<vmem>> -> memref<32x128xf32, #tpu.memory_space<vmem>>
      tpu.wait_dma2 semaphore(%run_scoped3A_734 : memref<!tpu.dma_semaphore, #tpu.memory_space<semaphore_mem>>) src(%dma_wait3A_758 : memref<32x128xf32, #tpu.memory_space<vmem>>) dst(%dma_wait3A_754 : memref<32x128xf32, #tpu.memory_space<hbm>>)
      tpu.yield
    }) : () -> ()
    %dma_start3A_596 = arith.constant 12 : i32
    %dma_start3A_597 = arith.constant 0 : i32
    %dma_start3A_598 = arith.constant 0 : i32
    %dma_start3A_599 = arith.constant 0 : i32
    %dma_start3A_600 = tpu.memref_slice %arg8[%dma_start3A_597, %dma_start3A_598, %dma_start3A_599] : memref<3x32x128xf32, #tpu.memory_space<vmem>> -> memref<1x32x128xf32, #tpu.memory_space<vmem>>
    %dma_start3A_601 = tpu.memref_squeeze %dma_start3A_600 : memref<1x32x128xf32, #tpu.memory_space<vmem>> -> memref<32x128xf32, #tpu.memory_space<vmem>>
    %dma_start3A_602 = arith.constant 0 : i32
    %dma_start3A_603 = tpu.memref_slice %arg7[%dma_start3A_596, %dma_start3A_602] : memref<16x32xi32, #tpu.memory_space<vmem>> -> memref<1x32xi32, #tpu.memory_space<vmem>>
    %dma_start3A_604 = tpu.memref_squeeze %dma_start3A_603 : memref<1x32xi32, #tpu.memory_space<vmem>> -> memref<32xi32, #tpu.memory_space<vmem>>
    %dma_start3A_605 = arith.constant 0 : i32
    %dma_start3A_606 = arith.constant 0 : i32
    %dma_start3A_607 = tpu.memref_slice %arg3[%dma_start3A_605, %dma_start3A_606] : memref<16384x128xf32, #tpu.memory_space<hbm>> -> memref<16384x128xf32, #tpu.memory_space<hbm>>
    tpu.enqueue_indirect_dma source(%dma_start3A_607 : memref<16384x128xf32, #tpu.memory_space<hbm>>) target(%dma_start3A_601 : memref<32x128xf32, #tpu.memory_space<vmem>>) offsets(%dma_start3A_604 : memref<32xi32, #tpu.memory_space<vmem>>) semaphore(%arg9 : memref<!tpu.dma_semaphore, #tpu.memory_space<semaphore_mem>>)
    %dma_wait3A_608 = arith.constant 10 : i32
    %dma_wait3A_609 = arith.constant 1 : i32
    %dma_wait3A_610 = arith.constant 0 : i32
    %dma_wait3A_611 = arith.constant 0 : i32
    %dma_wait3A_612 = tpu.memref_slice %arg8[%dma_wait3A_609, %dma_wait3A_610, %dma_wait3A_611] : memref<3x32x128xf32, #tpu.memory_space<vmem>> -> memref<1x32x128xf32, #tpu.memory_space<vmem>>
    %dma_wait3A_613 = tpu.memref_squeeze %dma_wait3A_612 : memref<1x32x128xf32, #tpu.memory_space<vmem>> -> memref<32x128xf32, #tpu.memory_space<vmem>>
    %dma_wait3A_614 = arith.constant 0 : i32
    %dma_wait3A_615 = tpu.memref_slice %arg7[%dma_wait3A_608, %dma_wait3A_614] : memref<16x32xi32, #tpu.memory_space<vmem>> -> memref<1x32xi32, #tpu.memory_space<vmem>>
    %dma_wait3A_616 = tpu.memref_squeeze %dma_wait3A_615 : memref<1x32xi32, #tpu.memory_space<vmem>> -> memref<32xi32, #tpu.memory_space<vmem>>
    %dma_wait3A_617 = arith.constant 0 : i32
    %dma_wait3A_618 = arith.constant 0 : i32
    %dma_wait3A_619 = tpu.memref_slice %arg3[%dma_wait3A_617, %dma_wait3A_618] : memref<16384x128xf32, #tpu.memory_space<hbm>> -> memref<16384x128xf32, #tpu.memory_space<hbm>>
    tpu.wait_indirect_dma semaphore(%arg9 : memref<!tpu.dma_semaphore, #tpu.memory_space<semaphore_mem>>) src(%dma_wait3A_619 : memref<16384x128xf32, #tpu.memory_space<hbm>>) dst(%dma_wait3A_613 : memref<32x128xf32, #tpu.memory_space<vmem>>)
    %add3A_620 = arith.constant 320 : i32
    %add3A_621 = arith.addi %mul3A_2, %add3A_620 : i32
    %run_scoped3A_622 = arith.constant 1 : i32
    "tpu.region"() ({
      %run_scoped3A_734 = tpu.sem_alloc : memref<!tpu.dma_semaphore, #tpu.memory_space<semaphore_mem>>
      %dma_start3A_735 = arith.constant 0 : i32
      %dma_start3A_736 = arith.constant 0 : i32
      %dma_start3A_737 = tpu.memref_slice %arg8[%run_scoped3A_622, %dma_start3A_735, %dma_start3A_736] : memref<3x32x128xf32, #tpu.memory_space<vmem>> -> memref<1x32x128xf32, #tpu.memory_space<vmem>>
      %dma_start3A_738 = tpu.memref_squeeze %dma_start3A_737 : memref<1x32x128xf32, #tpu.memory_space<vmem>> -> memref<32x128xf32, #tpu.memory_space<vmem>>
      %dma_start3A_739 = arith.constant 0 : i32
      %dma_start3A_740 = tpu.memref_slice %arg4[%add3A_621, %dma_start3A_739] : memref<16384x128xf32, #tpu.memory_space<hbm>> -> memref<32x128xf32, #tpu.memory_space<hbm>>
      %dma_start3A_741 = arith.constant 0 : i32
      %dma_start3A_742 = tpu.memref_slice %arg4[%add3A_621, %dma_start3A_741] : memref<16384x128xf32, #tpu.memory_space<hbm>> -> memref<32x128xf32, #tpu.memory_space<hbm>>
      %dma_start3A_743 = arith.constant 0 : i32
      %dma_start3A_744 = arith.constant 0 : i32
      %dma_start3A_745 = tpu.memref_slice %arg8[%run_scoped3A_622, %dma_start3A_743, %dma_start3A_744] : memref<3x32x128xf32, #tpu.memory_space<vmem>> -> memref<1x32x128xf32, #tpu.memory_space<vmem>>
      %dma_start3A_746 = tpu.memref_squeeze %dma_start3A_745 : memref<1x32x128xf32, #tpu.memory_space<vmem>> -> memref<32x128xf32, #tpu.memory_space<vmem>>
      tpu.enqueue_dma source(%dma_start3A_746 : memref<32x128xf32, #tpu.memory_space<vmem>>) target(%dma_start3A_742 : memref<32x128xf32, #tpu.memory_space<hbm>>) target_semaphore(%run_scoped3A_734 : memref<!tpu.dma_semaphore, #tpu.memory_space<semaphore_mem>>)
      %dma_wait3A_747 = arith.constant 0 : i32
      %dma_wait3A_748 = arith.constant 0 : i32
      %dma_wait3A_749 = tpu.memref_slice %arg8[%run_scoped3A_622, %dma_wait3A_747, %dma_wait3A_748] : memref<3x32x128xf32, #tpu.memory_space<vmem>> -> memref<1x32x128xf32, #tpu.memory_space<vmem>>
      %dma_wait3A_750 = tpu.memref_squeeze %dma_wait3A_749 : memref<1x32x128xf32, #tpu.memory_space<vmem>> -> memref<32x128xf32, #tpu.memory_space<vmem>>
      %dma_wait3A_751 = arith.constant 0 : i32
      %dma_wait3A_752 = tpu.memref_slice %arg4[%add3A_621, %dma_wait3A_751] : memref<16384x128xf32, #tpu.memory_space<hbm>> -> memref<32x128xf32, #tpu.memory_space<hbm>>
      %dma_wait3A_753 = arith.constant 0 : i32
      %dma_wait3A_754 = tpu.memref_slice %arg4[%add3A_621, %dma_wait3A_753] : memref<16384x128xf32, #tpu.memory_space<hbm>> -> memref<32x128xf32, #tpu.memory_space<hbm>>
      %dma_wait3A_755 = arith.constant 0 : i32
      %dma_wait3A_756 = arith.constant 0 : i32
      %dma_wait3A_757 = tpu.memref_slice %arg8[%run_scoped3A_622, %dma_wait3A_755, %dma_wait3A_756] : memref<3x32x128xf32, #tpu.memory_space<vmem>> -> memref<1x32x128xf32, #tpu.memory_space<vmem>>
      %dma_wait3A_758 = tpu.memref_squeeze %dma_wait3A_757 : memref<1x32x128xf32, #tpu.memory_space<vmem>> -> memref<32x128xf32, #tpu.memory_space<vmem>>
      tpu.wait_dma2 semaphore(%run_scoped3A_734 : memref<!tpu.dma_semaphore, #tpu.memory_space<semaphore_mem>>) src(%dma_wait3A_758 : memref<32x128xf32, #tpu.memory_space<vmem>>) dst(%dma_wait3A_754 : memref<32x128xf32, #tpu.memory_space<hbm>>)
      tpu.yield
    }) : () -> ()
    %dma_start3A_623 = arith.constant 13 : i32
    %dma_start3A_624 = arith.constant 1 : i32
    %dma_start3A_625 = arith.constant 0 : i32
    %dma_start3A_626 = arith.constant 0 : i32
    %dma_start3A_627 = tpu.memref_slice %arg8[%dma_start3A_624, %dma_start3A_625, %dma_start3A_626] : memref<3x32x128xf32, #tpu.memory_space<vmem>> -> memref<1x32x128xf32, #tpu.memory_space<vmem>>
    %dma_start3A_628 = tpu.memref_squeeze %dma_start3A_627 : memref<1x32x128xf32, #tpu.memory_space<vmem>> -> memref<32x128xf32, #tpu.memory_space<vmem>>
    %dma_start3A_629 = arith.constant 0 : i32
    %dma_start3A_630 = tpu.memref_slice %arg7[%dma_start3A_623, %dma_start3A_629] : memref<16x32xi32, #tpu.memory_space<vmem>> -> memref<1x32xi32, #tpu.memory_space<vmem>>
    %dma_start3A_631 = tpu.memref_squeeze %dma_start3A_630 : memref<1x32xi32, #tpu.memory_space<vmem>> -> memref<32xi32, #tpu.memory_space<vmem>>
    %dma_start3A_632 = arith.constant 0 : i32
    %dma_start3A_633 = arith.constant 0 : i32
    %dma_start3A_634 = tpu.memref_slice %arg3[%dma_start3A_632, %dma_start3A_633] : memref<16384x128xf32, #tpu.memory_space<hbm>> -> memref<16384x128xf32, #tpu.memory_space<hbm>>
    tpu.enqueue_indirect_dma source(%dma_start3A_634 : memref<16384x128xf32, #tpu.memory_space<hbm>>) target(%dma_start3A_628 : memref<32x128xf32, #tpu.memory_space<vmem>>) offsets(%dma_start3A_631 : memref<32xi32, #tpu.memory_space<vmem>>) semaphore(%arg9 : memref<!tpu.dma_semaphore, #tpu.memory_space<semaphore_mem>>)
    %dma_wait3A_635 = arith.constant 11 : i32
    %dma_wait3A_636 = arith.constant 2 : i32
    %dma_wait3A_637 = arith.constant 0 : i32
    %dma_wait3A_638 = arith.constant 0 : i32
    %dma_wait3A_639 = tpu.memref_slice %arg8[%dma_wait3A_636, %dma_wait3A_637, %dma_wait3A_638] : memref<3x32x128xf32, #tpu.memory_space<vmem>> -> memref<1x32x128xf32, #tpu.memory_space<vmem>>
    %dma_wait3A_640 = tpu.memref_squeeze %dma_wait3A_639 : memref<1x32x128xf32, #tpu.memory_space<vmem>> -> memref<32x128xf32, #tpu.memory_space<vmem>>
    %dma_wait3A_641 = arith.constant 0 : i32
    %dma_wait3A_642 = tpu.memref_slice %arg7[%dma_wait3A_635, %dma_wait3A_641] : memref<16x32xi32, #tpu.memory_space<vmem>> -> memref<1x32xi32, #tpu.memory_space<vmem>>
    %dma_wait3A_643 = tpu.memref_squeeze %dma_wait3A_642 : memref<1x32xi32, #tpu.memory_space<vmem>> -> memref<32xi32, #tpu.memory_space<vmem>>
    %dma_wait3A_644 = arith.constant 0 : i32
    %dma_wait3A_645 = arith.constant 0 : i32
    %dma_wait3A_646 = tpu.memref_slice %arg3[%dma_wait3A_644, %dma_wait3A_645] : memref<16384x128xf32, #tpu.memory_space<hbm>> -> memref<16384x128xf32, #tpu.memory_space<hbm>>
    tpu.wait_indirect_dma semaphore(%arg9 : memref<!tpu.dma_semaphore, #tpu.memory_space<semaphore_mem>>) src(%dma_wait3A_646 : memref<16384x128xf32, #tpu.memory_space<hbm>>) dst(%dma_wait3A_640 : memref<32x128xf32, #tpu.memory_space<vmem>>)
    %add3A_647 = arith.constant 352 : i32
    %add3A_648 = arith.addi %mul3A_2, %add3A_647 : i32
    %run_scoped3A_649 = arith.constant 2 : i32
    "tpu.region"() ({
      %run_scoped3A_734 = tpu.sem_alloc : memref<!tpu.dma_semaphore, #tpu.memory_space<semaphore_mem>>
      %dma_start3A_735 = arith.constant 0 : i32
      %dma_start3A_736 = arith.constant 0 : i32
      %dma_start3A_737 = tpu.memref_slice %arg8[%run_scoped3A_649, %dma_start3A_735, %dma_start3A_736] : memref<3x32x128xf32, #tpu.memory_space<vmem>> -> memref<1x32x128xf32, #tpu.memory_space<vmem>>
      %dma_start3A_738 = tpu.memref_squeeze %dma_start3A_737 : memref<1x32x128xf32, #tpu.memory_space<vmem>> -> memref<32x128xf32, #tpu.memory_space<vmem>>
      %dma_start3A_739 = arith.constant 0 : i32
      %dma_start3A_740 = tpu.memref_slice %arg4[%add3A_648, %dma_start3A_739] : memref<16384x128xf32, #tpu.memory_space<hbm>> -> memref<32x128xf32, #tpu.memory_space<hbm>>
      %dma_start3A_741 = arith.constant 0 : i32
      %dma_start3A_742 = tpu.memref_slice %arg4[%add3A_648, %dma_start3A_741] : memref<16384x128xf32, #tpu.memory_space<hbm>> -> memref<32x128xf32, #tpu.memory_space<hbm>>
      %dma_start3A_743 = arith.constant 0 : i32
      %dma_start3A_744 = arith.constant 0 : i32
      %dma_start3A_745 = tpu.memref_slice %arg8[%run_scoped3A_649, %dma_start3A_743, %dma_start3A_744] : memref<3x32x128xf32, #tpu.memory_space<vmem>> -> memref<1x32x128xf32, #tpu.memory_space<vmem>>
      %dma_start3A_746 = tpu.memref_squeeze %dma_start3A_745 : memref<1x32x128xf32, #tpu.memory_space<vmem>> -> memref<32x128xf32, #tpu.memory_space<vmem>>
      tpu.enqueue_dma source(%dma_start3A_746 : memref<32x128xf32, #tpu.memory_space<vmem>>) target(%dma_start3A_742 : memref<32x128xf32, #tpu.memory_space<hbm>>) target_semaphore(%run_scoped3A_734 : memref<!tpu.dma_semaphore, #tpu.memory_space<semaphore_mem>>)
      %dma_wait3A_747 = arith.constant 0 : i32
      %dma_wait3A_748 = arith.constant 0 : i32
      %dma_wait3A_749 = tpu.memref_slice %arg8[%run_scoped3A_649, %dma_wait3A_747, %dma_wait3A_748] : memref<3x32x128xf32, #tpu.memory_space<vmem>> -> memref<1x32x128xf32, #tpu.memory_space<vmem>>
      %dma_wait3A_750 = tpu.memref_squeeze %dma_wait3A_749 : memref<1x32x128xf32, #tpu.memory_space<vmem>> -> memref<32x128xf32, #tpu.memory_space<vmem>>
      %dma_wait3A_751 = arith.constant 0 : i32
      %dma_wait3A_752 = tpu.memref_slice %arg4[%add3A_648, %dma_wait3A_751] : memref<16384x128xf32, #tpu.memory_space<hbm>> -> memref<32x128xf32, #tpu.memory_space<hbm>>
      %dma_wait3A_753 = arith.constant 0 : i32
      %dma_wait3A_754 = tpu.memref_slice %arg4[%add3A_648, %dma_wait3A_753] : memref<16384x128xf32, #tpu.memory_space<hbm>> -> memref<32x128xf32, #tpu.memory_space<hbm>>
      %dma_wait3A_755 = arith.constant 0 : i32
      %dma_wait3A_756 = arith.constant 0 : i32
      %dma_wait3A_757 = tpu.memref_slice %arg8[%run_scoped3A_649, %dma_wait3A_755, %dma_wait3A_756] : memref<3x32x128xf32, #tpu.memory_space<vmem>> -> memref<1x32x128xf32, #tpu.memory_space<vmem>>
      %dma_wait3A_758 = tpu.memref_squeeze %dma_wait3A_757 : memref<1x32x128xf32, #tpu.memory_space<vmem>> -> memref<32x128xf32, #tpu.memory_space<vmem>>
      tpu.wait_dma2 semaphore(%run_scoped3A_734 : memref<!tpu.dma_semaphore, #tpu.memory_space<semaphore_mem>>) src(%dma_wait3A_758 : memref<32x128xf32, #tpu.memory_space<vmem>>) dst(%dma_wait3A_754 : memref<32x128xf32, #tpu.memory_space<hbm>>)
      tpu.yield
    }) : () -> ()
    %dma_start3A_650 = arith.constant 14 : i32
    %dma_start3A_651 = arith.constant 2 : i32
    %dma_start3A_652 = arith.constant 0 : i32
    %dma_start3A_653 = arith.constant 0 : i32
    %dma_start3A_654 = tpu.memref_slice %arg8[%dma_start3A_651, %dma_start3A_652, %dma_start3A_653] : memref<3x32x128xf32, #tpu.memory_space<vmem>> -> memref<1x32x128xf32, #tpu.memory_space<vmem>>
    %dma_start3A_655 = tpu.memref_squeeze %dma_start3A_654 : memref<1x32x128xf32, #tpu.memory_space<vmem>> -> memref<32x128xf32, #tpu.memory_space<vmem>>
    %dma_start3A_656 = arith.constant 0 : i32
    %dma_start3A_657 = tpu.memref_slice %arg7[%dma_start3A_650, %dma_start3A_656] : memref<16x32xi32, #tpu.memory_space<vmem>> -> memref<1x32xi32, #tpu.memory_space<vmem>>
    %dma_start3A_658 = tpu.memref_squeeze %dma_start3A_657 : memref<1x32xi32, #tpu.memory_space<vmem>> -> memref<32xi32, #tpu.memory_space<vmem>>
    %dma_start3A_659 = arith.constant 0 : i32
    %dma_start3A_660 = arith.constant 0 : i32
    %dma_start3A_661 = tpu.memref_slice %arg3[%dma_start3A_659, %dma_start3A_660] : memref<16384x128xf32, #tpu.memory_space<hbm>> -> memref<16384x128xf32, #tpu.memory_space<hbm>>
    tpu.enqueue_indirect_dma source(%dma_start3A_661 : memref<16384x128xf32, #tpu.memory_space<hbm>>) target(%dma_start3A_655 : memref<32x128xf32, #tpu.memory_space<vmem>>) offsets(%dma_start3A_658 : memref<32xi32, #tpu.memory_space<vmem>>) semaphore(%arg9 : memref<!tpu.dma_semaphore, #tpu.memory_space<semaphore_mem>>)
    %dma_wait3A_662 = arith.constant 12 : i32
    %dma_wait3A_663 = arith.constant 0 : i32
    %dma_wait3A_664 = arith.constant 0 : i32
    %dma_wait3A_665 = arith.constant 0 : i32
    %dma_wait3A_666 = tpu.memref_slice %arg8[%dma_wait3A_663, %dma_wait3A_664, %dma_wait3A_665] : memref<3x32x128xf32, #tpu.memory_space<vmem>> -> memref<1x32x128xf32, #tpu.memory_space<vmem>>
    %dma_wait3A_667 = tpu.memref_squeeze %dma_wait3A_666 : memref<1x32x128xf32, #tpu.memory_space<vmem>> -> memref<32x128xf32, #tpu.memory_space<vmem>>
    %dma_wait3A_668 = arith.constant 0 : i32
    %dma_wait3A_669 = tpu.memref_slice %arg7[%dma_wait3A_662, %dma_wait3A_668] : memref<16x32xi32, #tpu.memory_space<vmem>> -> memref<1x32xi32, #tpu.memory_space<vmem>>
    %dma_wait3A_670 = tpu.memref_squeeze %dma_wait3A_669 : memref<1x32xi32, #tpu.memory_space<vmem>> -> memref<32xi32, #tpu.memory_space<vmem>>
    %dma_wait3A_671 = arith.constant 0 : i32
    %dma_wait3A_672 = arith.constant 0 : i32
    %dma_wait3A_673 = tpu.memref_slice %arg3[%dma_wait3A_671, %dma_wait3A_672] : memref<16384x128xf32, #tpu.memory_space<hbm>> -> memref<16384x128xf32, #tpu.memory_space<hbm>>
    tpu.wait_indirect_dma semaphore(%arg9 : memref<!tpu.dma_semaphore, #tpu.memory_space<semaphore_mem>>) src(%dma_wait3A_673 : memref<16384x128xf32, #tpu.memory_space<hbm>>) dst(%dma_wait3A_667 : memref<32x128xf32, #tpu.memory_space<vmem>>)
    %add3A_674 = arith.constant 384 : i32
    %add3A_675 = arith.addi %mul3A_2, %add3A_674 : i32
    %run_scoped3A_676 = arith.constant 0 : i32
    "tpu.region"() ({
      %run_scoped3A_734 = tpu.sem_alloc : memref<!tpu.dma_semaphore, #tpu.memory_space<semaphore_mem>>
      %dma_start3A_735 = arith.constant 0 : i32
      %dma_start3A_736 = arith.constant 0 : i32
      %dma_start3A_737 = tpu.memref_slice %arg8[%run_scoped3A_676, %dma_start3A_735, %dma_start3A_736] : memref<3x32x128xf32, #tpu.memory_space<vmem>> -> memref<1x32x128xf32, #tpu.memory_space<vmem>>
      %dma_start3A_738 = tpu.memref_squeeze %dma_start3A_737 : memref<1x32x128xf32, #tpu.memory_space<vmem>> -> memref<32x128xf32, #tpu.memory_space<vmem>>
      %dma_start3A_739 = arith.constant 0 : i32
      %dma_start3A_740 = tpu.memref_slice %arg4[%add3A_675, %dma_start3A_739] : memref<16384x128xf32, #tpu.memory_space<hbm>> -> memref<32x128xf32, #tpu.memory_space<hbm>>
      %dma_start3A_741 = arith.constant 0 : i32
      %dma_start3A_742 = tpu.memref_slice %arg4[%add3A_675, %dma_start3A_741] : memref<16384x128xf32, #tpu.memory_space<hbm>> -> memref<32x128xf32, #tpu.memory_space<hbm>>
      %dma_start3A_743 = arith.constant 0 : i32
      %dma_start3A_744 = arith.constant 0 : i32
      %dma_start3A_745 = tpu.memref_slice %arg8[%run_scoped3A_676, %dma_start3A_743, %dma_start3A_744] : memref<3x32x128xf32, #tpu.memory_space<vmem>> -> memref<1x32x128xf32, #tpu.memory_space<vmem>>
      %dma_start3A_746 = tpu.memref_squeeze %dma_start3A_745 : memref<1x32x128xf32, #tpu.memory_space<vmem>> -> memref<32x128xf32, #tpu.memory_space<vmem>>
      tpu.enqueue_dma source(%dma_start3A_746 : memref<32x128xf32, #tpu.memory_space<vmem>>) target(%dma_start3A_742 : memref<32x128xf32, #tpu.memory_space<hbm>>) target_semaphore(%run_scoped3A_734 : memref<!tpu.dma_semaphore, #tpu.memory_space<semaphore_mem>>)
      %dma_wait3A_747 = arith.constant 0 : i32
      %dma_wait3A_748 = arith.constant 0 : i32
      %dma_wait3A_749 = tpu.memref_slice %arg8[%run_scoped3A_676, %dma_wait3A_747, %dma_wait3A_748] : memref<3x32x128xf32, #tpu.memory_space<vmem>> -> memref<1x32x128xf32, #tpu.memory_space<vmem>>
      %dma_wait3A_750 = tpu.memref_squeeze %dma_wait3A_749 : memref<1x32x128xf32, #tpu.memory_space<vmem>> -> memref<32x128xf32, #tpu.memory_space<vmem>>
      %dma_wait3A_751 = arith.constant 0 : i32
      %dma_wait3A_752 = tpu.memref_slice %arg4[%add3A_675, %dma_wait3A_751] : memref<16384x128xf32, #tpu.memory_space<hbm>> -> memref<32x128xf32, #tpu.memory_space<hbm>>
      %dma_wait3A_753 = arith.constant 0 : i32
      %dma_wait3A_754 = tpu.memref_slice %arg4[%add3A_675, %dma_wait3A_753] : memref<16384x128xf32, #tpu.memory_space<hbm>> -> memref<32x128xf32, #tpu.memory_space<hbm>>
      %dma_wait3A_755 = arith.constant 0 : i32
      %dma_wait3A_756 = arith.constant 0 : i32
      %dma_wait3A_757 = tpu.memref_slice %arg8[%run_scoped3A_676, %dma_wait3A_755, %dma_wait3A_756] : memref<3x32x128xf32, #tpu.memory_space<vmem>> -> memref<1x32x128xf32, #tpu.memory_space<vmem>>
      %dma_wait3A_758 = tpu.memref_squeeze %dma_wait3A_757 : memref<1x32x128xf32, #tpu.memory_space<vmem>> -> memref<32x128xf32, #tpu.memory_space<vmem>>
      tpu.wait_dma2 semaphore(%run_scoped3A_734 : memref<!tpu.dma_semaphore, #tpu.memory_space<semaphore_mem>>) src(%dma_wait3A_758 : memref<32x128xf32, #tpu.memory_space<vmem>>) dst(%dma_wait3A_754 : memref<32x128xf32, #tpu.memory_space<hbm>>)
      tpu.yield
    }) : () -> ()
    %dma_start3A_677 = arith.constant 15 : i32
    %dma_start3A_678 = arith.constant 0 : i32
    %dma_start3A_679 = arith.constant 0 : i32
    %dma_start3A_680 = arith.constant 0 : i32
    %dma_start3A_681 = tpu.memref_slice %arg8[%dma_start3A_678, %dma_start3A_679, %dma_start3A_680] : memref<3x32x128xf32, #tpu.memory_space<vmem>> -> memref<1x32x128xf32, #tpu.memory_space<vmem>>
    %dma_start3A_682 = tpu.memref_squeeze %dma_start3A_681 : memref<1x32x128xf32, #tpu.memory_space<vmem>> -> memref<32x128xf32, #tpu.memory_space<vmem>>
    %dma_start3A_683 = arith.constant 0 : i32
    %dma_start3A_684 = tpu.memref_slice %arg7[%dma_start3A_677, %dma_start3A_683] : memref<16x32xi32, #tpu.memory_space<vmem>> -> memref<1x32xi32, #tpu.memory_space<vmem>>
    %dma_start3A_685 = tpu.memref_squeeze %dma_start3A_684 : memref<1x32xi32, #tpu.memory_space<vmem>> -> memref<32xi32, #tpu.memory_space<vmem>>
    %dma_start3A_686 = arith.constant 0 : i32
    %dma_start3A_687 = arith.constant 0 : i32
    %dma_start3A_688 = tpu.memref_slice %arg3[%dma_start3A_686, %dma_start3A_687] : memref<16384x128xf32, #tpu.memory_space<hbm>> -> memref<16384x128xf32, #tpu.memory_space<hbm>>
    tpu.enqueue_indirect_dma source(%dma_start3A_688 : memref<16384x128xf32, #tpu.memory_space<hbm>>) target(%dma_start3A_682 : memref<32x128xf32, #tpu.memory_space<vmem>>) offsets(%dma_start3A_685 : memref<32xi32, #tpu.memory_space<vmem>>) semaphore(%arg9 : memref<!tpu.dma_semaphore, #tpu.memory_space<semaphore_mem>>)
    %dma_wait3A_689 = arith.constant 13 : i32
    %dma_wait3A_690 = arith.constant 1 : i32
    %dma_wait3A_691 = arith.constant 0 : i32
    %dma_wait3A_692 = arith.constant 0 : i32
    %dma_wait3A_693 = tpu.memref_slice %arg8[%dma_wait3A_690, %dma_wait3A_691, %dma_wait3A_692] : memref<3x32x128xf32, #tpu.memory_space<vmem>> -> memref<1x32x128xf32, #tpu.memory_space<vmem>>
    %dma_wait3A_694 = tpu.memref_squeeze %dma_wait3A_693 : memref<1x32x128xf32, #tpu.memory_space<vmem>> -> memref<32x128xf32, #tpu.memory_space<vmem>>
    %dma_wait3A_695 = arith.constant 0 : i32
    %dma_wait3A_696 = tpu.memref_slice %arg7[%dma_wait3A_689, %dma_wait3A_695] : memref<16x32xi32, #tpu.memory_space<vmem>> -> memref<1x32xi32, #tpu.memory_space<vmem>>
    %dma_wait3A_697 = tpu.memref_squeeze %dma_wait3A_696 : memref<1x32xi32, #tpu.memory_space<vmem>> -> memref<32xi32, #tpu.memory_space<vmem>>
    %dma_wait3A_698 = arith.constant 0 : i32
    %dma_wait3A_699 = arith.constant 0 : i32
    %dma_wait3A_700 = tpu.memref_slice %arg3[%dma_wait3A_698, %dma_wait3A_699] : memref<16384x128xf32, #tpu.memory_space<hbm>> -> memref<16384x128xf32, #tpu.memory_space<hbm>>
    tpu.wait_indirect_dma semaphore(%arg9 : memref<!tpu.dma_semaphore, #tpu.memory_space<semaphore_mem>>) src(%dma_wait3A_700 : memref<16384x128xf32, #tpu.memory_space<hbm>>) dst(%dma_wait3A_694 : memref<32x128xf32, #tpu.memory_space<vmem>>)
    %add3A_701 = arith.constant 416 : i32
    %add3A_702 = arith.addi %mul3A_2, %add3A_701 : i32
    %run_scoped3A_703 = arith.constant 1 : i32
    "tpu.region"() ({
      %run_scoped3A_734 = tpu.sem_alloc : memref<!tpu.dma_semaphore, #tpu.memory_space<semaphore_mem>>
      %dma_start3A_735 = arith.constant 0 : i32
      %dma_start3A_736 = arith.constant 0 : i32
      %dma_start3A_737 = tpu.memref_slice %arg8[%run_scoped3A_703, %dma_start3A_735, %dma_start3A_736] : memref<3x32x128xf32, #tpu.memory_space<vmem>> -> memref<1x32x128xf32, #tpu.memory_space<vmem>>
      %dma_start3A_738 = tpu.memref_squeeze %dma_start3A_737 : memref<1x32x128xf32, #tpu.memory_space<vmem>> -> memref<32x128xf32, #tpu.memory_space<vmem>>
      %dma_start3A_739 = arith.constant 0 : i32
      %dma_start3A_740 = tpu.memref_slice %arg4[%add3A_702, %dma_start3A_739] : memref<16384x128xf32, #tpu.memory_space<hbm>> -> memref<32x128xf32, #tpu.memory_space<hbm>>
      %dma_start3A_741 = arith.constant 0 : i32
      %dma_start3A_742 = tpu.memref_slice %arg4[%add3A_702, %dma_start3A_741] : memref<16384x128xf32, #tpu.memory_space<hbm>> -> memref<32x128xf32, #tpu.memory_space<hbm>>
      %dma_start3A_743 = arith.constant 0 : i32
      %dma_start3A_744 = arith.constant 0 : i32
      %dma_start3A_745 = tpu.memref_slice %arg8[%run_scoped3A_703, %dma_start3A_743, %dma_start3A_744] : memref<3x32x128xf32, #tpu.memory_space<vmem>> -> memref<1x32x128xf32, #tpu.memory_space<vmem>>
      %dma_start3A_746 = tpu.memref_squeeze %dma_start3A_745 : memref<1x32x128xf32, #tpu.memory_space<vmem>> -> memref<32x128xf32, #tpu.memory_space<vmem>>
      tpu.enqueue_dma source(%dma_start3A_746 : memref<32x128xf32, #tpu.memory_space<vmem>>) target(%dma_start3A_742 : memref<32x128xf32, #tpu.memory_space<hbm>>) target_semaphore(%run_scoped3A_734 : memref<!tpu.dma_semaphore, #tpu.memory_space<semaphore_mem>>)
      %dma_wait3A_747 = arith.constant 0 : i32
      %dma_wait3A_748 = arith.constant 0 : i32
      %dma_wait3A_749 = tpu.memref_slice %arg8[%run_scoped3A_703, %dma_wait3A_747, %dma_wait3A_748] : memref<3x32x128xf32, #tpu.memory_space<vmem>> -> memref<1x32x128xf32, #tpu.memory_space<vmem>>
      %dma_wait3A_750 = tpu.memref_squeeze %dma_wait3A_749 : memref<1x32x128xf32, #tpu.memory_space<vmem>> -> memref<32x128xf32, #tpu.memory_space<vmem>>
      %dma_wait3A_751 = arith.constant 0 : i32
      %dma_wait3A_752 = tpu.memref_slice %arg4[%add3A_702, %dma_wait3A_751] : memref<16384x128xf32, #tpu.memory_space<hbm>> -> memref<32x128xf32, #tpu.memory_space<hbm>>
      %dma_wait3A_753 = arith.constant 0 : i32
      %dma_wait3A_754 = tpu.memref_slice %arg4[%add3A_702, %dma_wait3A_753] : memref<16384x128xf32, #tpu.memory_space<hbm>> -> memref<32x128xf32, #tpu.memory_space<hbm>>
      %dma_wait3A_755 = arith.constant 0 : i32
      %dma_wait3A_756 = arith.constant 0 : i32
      %dma_wait3A_757 = tpu.memref_slice %arg8[%run_scoped3A_703, %dma_wait3A_755, %dma_wait3A_756] : memref<3x32x128xf32, #tpu.memory_space<vmem>> -> memref<1x32x128xf32, #tpu.memory_space<vmem>>
      %dma_wait3A_758 = tpu.memref_squeeze %dma_wait3A_757 : memref<1x32x128xf32, #tpu.memory_space<vmem>> -> memref<32x128xf32, #tpu.memory_space<vmem>>
      tpu.wait_dma2 semaphore(%run_scoped3A_734 : memref<!tpu.dma_semaphore, #tpu.memory_space<semaphore_mem>>) src(%dma_wait3A_758 : memref<32x128xf32, #tpu.memory_space<vmem>>) dst(%dma_wait3A_754 : memref<32x128xf32, #tpu.memory_space<hbm>>)
      tpu.yield
    }) : () -> ()
    %dma_wait3A_704 = arith.constant 14 : i32
    %dma_wait3A_705 = arith.constant 2 : i32
    %dma_wait3A_706 = arith.constant 0 : i32
    %dma_wait3A_707 = arith.constant 0 : i32
    %dma_wait3A_708 = tpu.memref_slice %arg8[%dma_wait3A_705, %dma_wait3A_706, %dma_wait3A_707] : memref<3x32x128xf32, #tpu.memory_space<vmem>> -> memref<1x32x128xf32, #tpu.memory_space<vmem>>
    %dma_wait3A_709 = tpu.memref_squeeze %dma_wait3A_708 : memref<1x32x128xf32, #tpu.memory_space<vmem>> -> memref<32x128xf32, #tpu.memory_space<vmem>>
    %dma_wait3A_710 = arith.constant 0 : i32
    %dma_wait3A_711 = tpu.memref_slice %arg7[%dma_wait3A_704, %dma_wait3A_710] : memref<16x32xi32, #tpu.memory_space<vmem>> -> memref<1x32xi32, #tpu.memory_space<vmem>>
    %dma_wait3A_712 = tpu.memref_squeeze %dma_wait3A_711 : memref<1x32xi32, #tpu.memory_space<vmem>> -> memref<32xi32, #tpu.memory_space<vmem>>
    %dma_wait3A_713 = arith.constant 0 : i32
    %dma_wait3A_714 = arith.constant 0 : i32
    %dma_wait3A_715 = tpu.memref_slice %arg3[%dma_wait3A_713, %dma_wait3A_714] : memref<16384x128xf32, #tpu.memory_space<hbm>> -> memref<16384x128xf32, #tpu.memory_space<hbm>>
    tpu.wait_indirect_dma semaphore(%arg9 : memref<!tpu.dma_semaphore, #tpu.memory_space<semaphore_mem>>) src(%dma_wait3A_715 : memref<16384x128xf32, #tpu.memory_space<hbm>>) dst(%dma_wait3A_709 : memref<32x128xf32, #tpu.memory_space<vmem>>)
    %add3A_716 = arith.constant 448 : i32
    %add3A_717 = arith.addi %mul3A_2, %add3A_716 : i32
    %run_scoped3A_718 = arith.constant 2 : i32
    "tpu.region"() ({
      %run_scoped3A_734 = tpu.sem_alloc : memref<!tpu.dma_semaphore, #tpu.memory_space<semaphore_mem>>
      %dma_start3A_735 = arith.constant 0 : i32
      %dma_start3A_736 = arith.constant 0 : i32
      %dma_start3A_737 = tpu.memref_slice %arg8[%run_scoped3A_718, %dma_start3A_735, %dma_start3A_736] : memref<3x32x128xf32, #tpu.memory_space<vmem>> -> memref<1x32x128xf32, #tpu.memory_space<vmem>>
      %dma_start3A_738 = tpu.memref_squeeze %dma_start3A_737 : memref<1x32x128xf32, #tpu.memory_space<vmem>> -> memref<32x128xf32, #tpu.memory_space<vmem>>
      %dma_start3A_739 = arith.constant 0 : i32
      %dma_start3A_740 = tpu.memref_slice %arg4[%add3A_717, %dma_start3A_739] : memref<16384x128xf32, #tpu.memory_space<hbm>> -> memref<32x128xf32, #tpu.memory_space<hbm>>
      %dma_start3A_741 = arith.constant 0 : i32
      %dma_start3A_742 = tpu.memref_slice %arg4[%add3A_717, %dma_start3A_741] : memref<16384x128xf32, #tpu.memory_space<hbm>> -> memref<32x128xf32, #tpu.memory_space<hbm>>
      %dma_start3A_743 = arith.constant 0 : i32
      %dma_start3A_744 = arith.constant 0 : i32
      %dma_start3A_745 = tpu.memref_slice %arg8[%run_scoped3A_718, %dma_start3A_743, %dma_start3A_744] : memref<3x32x128xf32, #tpu.memory_space<vmem>> -> memref<1x32x128xf32, #tpu.memory_space<vmem>>
      %dma_start3A_746 = tpu.memref_squeeze %dma_start3A_745 : memref<1x32x128xf32, #tpu.memory_space<vmem>> -> memref<32x128xf32, #tpu.memory_space<vmem>>
      tpu.enqueue_dma source(%dma_start3A_746 : memref<32x128xf32, #tpu.memory_space<vmem>>) target(%dma_start3A_742 : memref<32x128xf32, #tpu.memory_space<hbm>>) target_semaphore(%run_scoped3A_734 : memref<!tpu.dma_semaphore, #tpu.memory_space<semaphore_mem>>)
      %dma_wait3A_747 = arith.constant 0 : i32
      %dma_wait3A_748 = arith.constant 0 : i32
      %dma_wait3A_749 = tpu.memref_slice %arg8[%run_scoped3A_718, %dma_wait3A_747, %dma_wait3A_748] : memref<3x32x128xf32, #tpu.memory_space<vmem>> -> memref<1x32x128xf32, #tpu.memory_space<vmem>>
      %dma_wait3A_750 = tpu.memref_squeeze %dma_wait3A_749 : memref<1x32x128xf32, #tpu.memory_space<vmem>> -> memref<32x128xf32, #tpu.memory_space<vmem>>
      %dma_wait3A_751 = arith.constant 0 : i32
      %dma_wait3A_752 = tpu.memref_slice %arg4[%add3A_717, %dma_wait3A_751] : memref<16384x128xf32, #tpu.memory_space<hbm>> -> memref<32x128xf32, #tpu.memory_space<hbm>>
      %dma_wait3A_753 = arith.constant 0 : i32
      %dma_wait3A_754 = tpu.memref_slice %arg4[%add3A_717, %dma_wait3A_753] : memref<16384x128xf32, #tpu.memory_space<hbm>> -> memref<32x128xf32, #tpu.memory_space<hbm>>
      %dma_wait3A_755 = arith.constant 0 : i32
      %dma_wait3A_756 = arith.constant 0 : i32
      %dma_wait3A_757 = tpu.memref_slice %arg8[%run_scoped3A_718, %dma_wait3A_755, %dma_wait3A_756] : memref<3x32x128xf32, #tpu.memory_space<vmem>> -> memref<1x32x128xf32, #tpu.memory_space<vmem>>
      %dma_wait3A_758 = tpu.memref_squeeze %dma_wait3A_757 : memref<1x32x128xf32, #tpu.memory_space<vmem>> -> memref<32x128xf32, #tpu.memory_space<vmem>>
      tpu.wait_dma2 semaphore(%run_scoped3A_734 : memref<!tpu.dma_semaphore, #tpu.memory_space<semaphore_mem>>) src(%dma_wait3A_758 : memref<32x128xf32, #tpu.memory_space<vmem>>) dst(%dma_wait3A_754 : memref<32x128xf32, #tpu.memory_space<hbm>>)
      tpu.yield
    }) : () -> ()
    %dma_wait3A_719 = arith.constant 15 : i32
    %dma_wait3A_720 = arith.constant 0 : i32
    %dma_wait3A_721 = arith.constant 0 : i32
    %dma_wait3A_722 = arith.constant 0 : i32
    %dma_wait3A_723 = tpu.memref_slice %arg8[%dma_wait3A_720, %dma_wait3A_721, %dma_wait3A_722] : memref<3x32x128xf32, #tpu.memory_space<vmem>> -> memref<1x32x128xf32, #tpu.memory_space<vmem>>
    %dma_wait3A_724 = tpu.memref_squeeze %dma_wait3A_723 : memref<1x32x128xf32, #tpu.memory_space<vmem>> -> memref<32x128xf32, #tpu.memory_space<vmem>>
    %dma_wait3A_725 = arith.constant 0 : i32
    %dma_wait3A_726 = tpu.memref_slice %arg7[%dma_wait3A_719, %dma_wait3A_725] : memref<16x32xi32, #tpu.memory_space<vmem>> -> memref<1x32xi32, #tpu.memory_space<vmem>>
    %dma_wait3A_727 = tpu.memref_squeeze %dma_wait3A_726 : memref<1x32xi32, #tpu.memory_space<vmem>> -> memref<32xi32, #tpu.memory_space<vmem>>
    %dma_wait3A_728 = arith.constant 0 : i32
    %dma_wait3A_729 = arith.constant 0 : i32
    %dma_wait3A_730 = tpu.memref_slice %arg3[%dma_wait3A_728, %dma_wait3A_729] : memref<16384x128xf32, #tpu.memory_space<hbm>> -> memref<16384x128xf32, #tpu.memory_space<hbm>>
    tpu.wait_indirect_dma semaphore(%arg9 : memref<!tpu.dma_semaphore, #tpu.memory_space<semaphore_mem>>) src(%dma_wait3A_730 : memref<16384x128xf32, #tpu.memory_space<hbm>>) dst(%dma_wait3A_724 : memref<32x128xf32, #tpu.memory_space<vmem>>)
    %add3A_731 = arith.constant 480 : i32
    %add3A_732 = arith.addi %mul3A_2, %add3A_731 : i32
    %run_scoped3A_733 = arith.constant 0 : i32
    "tpu.region"() ({
      %run_scoped3A_734 = tpu.sem_alloc : memref<!tpu.dma_semaphore, #tpu.memory_space<semaphore_mem>>
      %dma_start3A_735 = arith.constant 0 : i32
      %dma_start3A_736 = arith.constant 0 : i32
      %dma_start3A_737 = tpu.memref_slice %arg8[%run_scoped3A_733, %dma_start3A_735, %dma_start3A_736] : memref<3x32x128xf32, #tpu.memory_space<vmem>> -> memref<1x32x128xf32, #tpu.memory_space<vmem>>
      %dma_start3A_738 = tpu.memref_squeeze %dma_start3A_737 : memref<1x32x128xf32, #tpu.memory_space<vmem>> -> memref<32x128xf32, #tpu.memory_space<vmem>>
      %dma_start3A_739 = arith.constant 0 : i32
      %dma_start3A_740 = tpu.memref_slice %arg4[%add3A_732, %dma_start3A_739] : memref<16384x128xf32, #tpu.memory_space<hbm>> -> memref<32x128xf32, #tpu.memory_space<hbm>>
      %dma_start3A_741 = arith.constant 0 : i32
      %dma_start3A_742 = tpu.memref_slice %arg4[%add3A_732, %dma_start3A_741] : memref<16384x128xf32, #tpu.memory_space<hbm>> -> memref<32x128xf32, #tpu.memory_space<hbm>>
      %dma_start3A_743 = arith.constant 0 : i32
      %dma_start3A_744 = arith.constant 0 : i32
      %dma_start3A_745 = tpu.memref_slice %arg8[%run_scoped3A_733, %dma_start3A_743, %dma_start3A_744] : memref<3x32x128xf32, #tpu.memory_space<vmem>> -> memref<1x32x128xf32, #tpu.memory_space<vmem>>
      %dma_start3A_746 = tpu.memref_squeeze %dma_start3A_745 : memref<1x32x128xf32, #tpu.memory_space<vmem>> -> memref<32x128xf32, #tpu.memory_space<vmem>>
      tpu.enqueue_dma source(%dma_start3A_746 : memref<32x128xf32, #tpu.memory_space<vmem>>) target(%dma_start3A_742 : memref<32x128xf32, #tpu.memory_space<hbm>>) target_semaphore(%run_scoped3A_734 : memref<!tpu.dma_semaphore, #tpu.memory_space<semaphore_mem>>)
      %dma_wait3A_747 = arith.constant 0 : i32
      %dma_wait3A_748 = arith.constant 0 : i32
      %dma_wait3A_749 = tpu.memref_slice %arg8[%run_scoped3A_733, %dma_wait3A_747, %dma_wait3A_748] : memref<3x32x128xf32, #tpu.memory_space<vmem>> -> memref<1x32x128xf32, #tpu.memory_space<vmem>>
      %dma_wait3A_750 = tpu.memref_squeeze %dma_wait3A_749 : memref<1x32x128xf32, #tpu.memory_space<vmem>> -> memref<32x128xf32, #tpu.memory_space<vmem>>
      %dma_wait3A_751 = arith.constant 0 : i32
      %dma_wait3A_752 = tpu.memref_slice %arg4[%add3A_732, %dma_wait3A_751] : memref<16384x128xf32, #tpu.memory_space<hbm>> -> memref<32x128xf32, #tpu.memory_space<hbm>>
      %dma_wait3A_753 = arith.constant 0 : i32
      %dma_wait3A_754 = tpu.memref_slice %arg4[%add3A_732, %dma_wait3A_753] : memref<16384x128xf32, #tpu.memory_space<hbm>> -> memref<32x128xf32, #tpu.memory_space<hbm>>
      %dma_wait3A_755 = arith.constant 0 : i32
      %dma_wait3A_756 = arith.constant 0 : i32
      %dma_wait3A_757 = tpu.memref_slice %arg8[%run_scoped3A_733, %dma_wait3A_755, %dma_wait3A_756] : memref<3x32x128xf32, #tpu.memory_space<vmem>> -> memref<1x32x128xf32, #tpu.memory_space<vmem>>
      %dma_wait3A_758 = tpu.memref_squeeze %dma_wait3A_757 : memref<1x32x128xf32, #tpu.memory_space<vmem>> -> memref<32x128xf32, #tpu.memory_space<vmem>>
      tpu.wait_dma2 semaphore(%run_scoped3A_734 : memref<!tpu.dma_semaphore, #tpu.memory_space<semaphore_mem>>) src(%dma_wait3A_758 : memref<32x128xf32, #tpu.memory_space<vmem>>) dst(%dma_wait3A_754 : memref<32x128xf32, #tpu.memory_space<hbm>>)
      tpu.yield
    }) : () -> ()
    return
  }
}

</mosaic_0001>

<sc_bundles>
// kernel: kernel.3.cloned.1.call-start
scs
__scs_entry_jumppad:
0x0: {  	(pc) =	sbr.rel $0x88, $3  }
0x1: {  	(tag) =	ssettag $0x0;
	lr =	simm.s32 $0x1  }
0x2: {  	[smem:$0x3F9F] =	sst lr;
	_ =	strace $0xD0000000  }
0x3: {  	_ = 	snop  }
0x4: {  	_ = 	snop  }
0x5: {  	_ = 	snop  }
0x6: {  	_ = 	snop  }
0x7: {  	_ = 	snop  }
__scs_overlays_trampoline_lowered:
0x8: {  	[smem:$0x3FAE] =	sst s0  }
0x9: {  	[smem:$0x3FAF] =	sst s1  }
0xa: {  	[smem:$0x3FB0] =	sst s2  }
0xb: {  	[smem:$0x3FB1] =	sst s3  }
0xc: {  	[smem:$0x3FB2] =	sst s4  }
0xd: {  	[smem:$0x3FB3] =	sst s5  }
0xe: {  	[smem:$0x3FB4] =	sst s6  }
0xf: {  	[smem:$0x3FB5] =	sst s7  }
0x10: {  	[smem:$0x3FB6] =	sst s8  }
0x11: {  	[smem:$0x3FB7] =	sst s9;
	s0 =	simm.s32 @!p0 $0x0  }
0x12: {  	s1 =	sld [smem:$0x3F9D];
	s0 =	simm.s32 @p0 $0x1  }
0x13: {  	[smem:$0x3FB8] =	sst s0;
	s0 =	simm.s32 @!p1 $0x0  }
0x14: {  	s2 =	sld [smem:$0x3F9C];
	s0 =	simm.s32 @p1 $0x1  }
0x15: {  	[smem:$0x3FB9] =	sst s0;
	s0 =	simm.s32 @!p2 $0x0  }
0x16: {  	s3 =	sld [smem:$0x3FDB];
	s0 =	simm.s32 @p2 $0x1  }
0x17: {  	s4 =	simm.s32 $0x1BF5;
	[smem:$0x3FBB] =	sst s0  }
0x18: {  	s0 =	sld [smem:$0x3F9E];
	_ =	swait.ge [sflag:s4], $0x0  }
0x19: {  	s7 =	sld [smem:$0x3F9F]  }
0x1a: {  	s8 =	sadd.s32 $0xFFFFE003, lr  }
0x1b: {  	s9 =	sadd.s32 $0xFFFFFEF7, lr;
	s5 =	simm.s32 $0xFFFFFFFF;
	p2 =	slt.u32 s8, $0xFFFFF086  }
0x1c: {  	p1 =	slt.u32 s9, $0xF7A;
	s5 =	simm.s32 @!p2 $0x0  }
0x1d: {  	s5 =	simm.s32 @p1 $0x1;
	p0 =	seq.s32 s7, s2  }
0x1e: {  	s7 =	smul.u32 @!p0 $0xF7A, s2;
	p2 =	seq.s32 @!p0 s5, $0x0  }
0x1f: {  	s9 =	smul.u32 $0xF7A, s1;
	s8 =	simm.s32 @!p0 $0x1BF5;
	p2 =	por !p2, p0  }
0x20: {  	[sflag:s8] =	ssyncset.s32 @!p0 $0xFFFFF086;
	s6 =	sadd.s32 @!p0 s3, s7;
	s7 =	simm.s32 @!p0 $0x108  }
0x21: {  	s3 =	sadd.s32 s3, s9;
	s6 =	sadd.s32 @!p0 $0x88, s6;
	s7 =	simm.s32 @p2 $0x1082  }
0x22: {  	[simem:s7], [sflag:s8] =	dma.local @!p0 [hbm:s6], $0xF7A  }
0x23: {  	s9 =	sor.u32 $0xD0000000, s2;
	s6 =	simm.s32 $0x108;
	_ =	swait.ge @!p0 [sflag:s8], $0x0  }
0x24: {  	s3 =	sadd.s32 $0x88, s3;
	s6 =	simm.s32 @!p1 $0x1082;
	[sflag:s4] =	ssyncset.s32 $0xFFFFF086  }
0x25: {  	[simem:s6], [sflag:s4] =	dma.local [hbm:s3], $0xF7A  }
0x26: {  	[smem:$0x3F9F] =	sst s1;
	(tag) =	ssettag s2;
	_ =	strace s9  }
0x27: {  	s1 =	sld [smem:$0x3FAF]  }
0x28: {  	s2 =	sld [smem:$0x3FB0]  }
0x29: {  	s4 =	sld [smem:$0x3FB2]  }
0x2a: {  	p0 =	seq.s32 s5, $0x0;
	s5 =	sld [smem:$0x3FB3]  }
0x2b: {  	s6 =	sld [smem:$0x3FB4]  }
0x2c: {  	s7 =	sld [smem:$0x3FB5]  }
0x2d: {  	s3 =	simm.s32 $0x108;
	s8 =	sld [smem:$0x3FB6]  }
0x2e: {  	s3 =	simm.s32 @!p0 $0x1082;
	s9 =	sld [smem:$0x3FB7]  }
0x2f: {  	lr =	sadd.s32 s0, s3;
	s0 =	sld [smem:$0x3FAE]  }
0x30: {  	s3 =	sld [smem:$0x3FB1]  }
0x31: {  	[smem:$0x3FBA] =	sst s10  }
0x32: {  	s10 =	sld [smem:$0x3FB8];
	_ =	sdelay $0x3  }
0x33: {  	p0 =	seq.s32 s10, $0x1;
	s10 =	sld [smem:$0x3FBA];
	_ =	sdelay $0x3  }
0x34: {  	[smem:$0x3FBA] =	sst s10  }
0x35: {  	s10 =	sld [smem:$0x3FB9];
	_ =	sdelay $0x3  }
0x36: {  	p1 =	seq.s32 s10, $0x1;
	s10 =	sld [smem:$0x3FBA];
	_ =	sdelay $0x3  }
0x37: {  	[smem:$0x3FBA] =	sst s10  }
0x38: {  	s10 =	sld [smem:$0x3FBB]  }
0x39: {  	_ = 	snop;
	(pc) =	sbr.ind lr, $3  }
0x3a: {  	_ = 	snop  }
0x3b: {  	_ = 	snop  }
0x3c: {  	p2 =	seq.s32 s10, $0x1;
	s10 =	sld [smem:$0x3FBA]  }
0x3d: {  	_ =	shalt  }
0x3e: {  	_ =	shalt  }
0x3f: {  	_ =	shalt  }
0x40: {  	_ =	shalt  }
0x41: {  	_ =	shalt  }
0x42: {  	_ =	shalt  }
0x43: {  	_ =	shalt  }
0x44: {  	_ =	shalt  }
0x45: {  	_ =	shalt  }
0x46: {  	_ =	shalt  }
0x47: {  	_ =	shalt  }
0x48: {  	_ =	shalt  }
0x49: {  	_ =	shalt  }
0x4a: {  	_ =	shalt  }
0x4b: {  	_ =	shalt  }
0x4c: {  	_ =	shalt  }
0x4d: {  	_ =	shalt  }
0x4e: {  	_ =	shalt  }
0x4f: {  	_ =	shalt  }
0x50: {  	_ =	shalt  }
0x51: {  	_ =	shalt  }
0x52: {  	_ =	shalt  }
0x53: {  	_ =	shalt  }
0x54: {  	_ =	shalt  }
0x55: {  	_ =	shalt  }
0x56: {  	_ =	shalt  }
0x57: {  	_ =	shalt  }
0x58: {  	_ =	shalt  }
0x59: {  	_ =	shalt  }
0x5a: {  	_ =	shalt  }
0x5b: {  	_ =	shalt  }
0x5c: {  	_ =	shalt  }
0x5d: {  	_ =	shalt  }
0x5e: {  	_ =	shalt  }
0x5f: {  	_ =	shalt  }
0x60: {  	_ =	shalt  }
0x61: {  	_ =	shalt  }
0x62: {  	_ =	shalt  }
0x63: {  	_ =	shalt  }
0x64: {  	_ =	shalt  }
0x65: {  	_ =	shalt  }
0x66: {  	_ =	shalt  }
0x67: {  	_ =	shalt  }
0x68: {  	_ =	shalt  }
0x69: {  	_ =	shalt  }
0x6a: {  	_ =	shalt  }
0x6b: {  	_ =	shalt  }
0x6c: {  	_ =	shalt  }
0x6d: {  	_ =	shalt  }
0x6e: {  	_ =	shalt  }
0x6f: {  	_ =	shalt  }
0x70: {  	_ =	shalt  }
0x71: {  	_ =	shalt  }
0x72: {  	_ =	shalt  }
0x73: {  	_ =	shalt  }
0x74: {  	_ =	shalt  }
0x75: {  	_ =	shalt  }
0x76: {  	_ =	shalt  }
0x77: {  	_ =	shalt  }
0x78: {  	_ =	shalt  }
0x79: {  	_ =	shalt  }
0x7a: {  	_ =	shalt  }
0x7b: {  	_ =	shalt  }
0x7c: {  	_ =	shalt  }
0x7d: {  	_ =	shalt  }
0x7e: {  	_ =	shalt  }
0x7f: {  	_ =	shalt  }
0x80: {  	_ =	shalt  }
0x81: {  	_ =	shalt  }
0x82: {  	_ =	shalt  }
0x83: {  	_ =	shalt  }
0x84: {  	_ =	shalt  }
0x85: {  	_ =	shalt  }
0x86: {  	_ =	shalt  }
0x87: {  	_ =	shalt  }
.Lfunc_end0:
.L_simem_size_0:
called_computation_lowered:
.L_overlay_start_0:
0x88: {  	s2 =	sld [smem:$0x3FD9]  }
0x89: {  	s3 =	sld [smem:$0x3FFE];
	_ =	sdelay $0x1  }
0x8a: {  	s1 =	srdreg.scid  }
0x8b: {  	s0 =	sand.u32 $0x1, s1  }
0x8c: {  	s18 =	sshll.u32 s0, $0xA;
	s2 =	sadd.s32 s3, s2  }
0x8d: {  	s2 =	sadd.s32 s2, s18  }
0x8e: {  	[smem:$0x3FC6] =	sst s2  }
0x8f: {  	_ = 	snop  }
0x90: {  	s2 =	sld [smem:$0x3FC9]  }
0x91: {  	s19 =	sld [smem:$0x3FC8]  }
0x92: {  	s4 =	sld [smem:$0x3FD0];
	(tm) =	ssettm $0x1  }
0x93: {  	s5 =	sld [smem:$0x3FFB];
	_ =	sdelay $0x3  }
0x94: {  	_ =	strace s5  }
0x95: {  	s5 =	sld [smem:$0x3FFC];
	_ =	sdelay $0x3  }
0x96: {  	_ =	strace s5  }
0x97: {  	s5 =	sld [smem:$0x3FFD];
	_ =	sdelay $0x3  }
0x98: {  	_ =	strace s5  }
0x99: {  	_ =	strace $0x8FFFFFFF  }
0x9a: {  	s20 =	sld [smem:$0x3FDB];
	_ =	sdelay $0x1  }
0x9b: {  	s6 =	simm.s32 $_scs_section_size  }
0x9c: {  	s7 =	simm.s32 $_size__tile_overlayer_lowered;
	s8 =	simm.s32 $_tile_overlayer_lowered  }
0x9d: {  	s23 =	simm.s32 $0x1BFF;
	s22 =	sshll.u32 s8, $0x1;
	s5 =	sadd.s32 s6, s20  }
0x9e: {  	s9 =	simm.s32 $0x0;
	s21 =	sshll.u32 s7, $0x1;
	s7 =	sadd.s32 s22, s5  }
0x9f: {  	[timem:s9], [sflag:s23] =	dma.local [hbm:s7], s21  }
0xa0: {  	_ =	swait.ge [sflag:s23], s21  }
0xa1: {  	s6 =	ssub.s32 $0x0, s21;
	[sflag:s23] =	ssyncset.done $0x0  }
0xa2: {  	[sflag:s23] =	ssyncadd.s32 s6;
	_ =	sdelay $0x1  }
0xa3: {  	s24 =	simm.s32 $0x1B8B  }
0xa4: {  	_ =	swait.ge [sflag:s24], $0x1  }
0xa5: {  	[sflag:s24] =	ssyncset.done $0x0  }
0xa6: {  	s25 =	simm.s32 $0x1B8E;
	[sflag:s24] =	ssyncadd.s32 $0xFFFFFFFF  }
0xa7: {  	s26 =	simm.s32 $execute0_lowered;
	[smem:$0x3FD2] =	sst s25  }
0xa8: {  	s6 =	sshll.u32 s26, $0x1;
	_ =	strace $0x80000046;
	[dreg:$0x1] =	wrdreg $0xFFFFFFFF  }
0xa9: {  	s28 =	simm.s32 $_size_execute0_lowered;
	s5 =	sadd.s32 s5, s6;
	[dreg:$0x0] =	wrdreg $0x0  }
0xaa: {  	s6 =	sshll.u32 s28, $0x1;
	[dreg:$0x2] =	wrdreg s5  }
0xab: {  	[dreg:$0x3] =	wrdreg s6  }
0xac: {  	[dreg:$0x4] =	wrdreg $0xC0  }
0xad: {  	_ =	task [dreg:s9], $0x5FFFF  }
0xae: {  	[dreg:$0x1] =	wrdreg $0xFFFFFFFF  }
0xaf: {  	[dreg:$0x0] =	wrdreg $0x60  }
0xb0: {  	[dreg:$0x2] =	wrdreg s2  }
0xb1: {  	[dreg:$0x3] =	wrdreg s19  }
0xb2: {  	[dreg:$0x4] =	wrdreg s4  }
0xb3: {  	[dreg:$0x5] =	wrdreg $0x9  }
0xb4: {  	_ =	task.clear_ibuf [dreg:s9], $0x6FFFF;
	_ =	strace $0x90000046  }
0xb5: {  	s29 =	simm.s32 $0x9;
	_ =	strace $0x80000048  }
0xb6: {  	_ =	swait.ge [sflag:s29], $0x1  }
0xb7: {  	[sflag:s29] =	ssyncadd.s32 $0xFFFFFFFF  }
0xb8: {  	_ =	strace $0x90000048  }
0xb9: {  	_ =	sfence  }
0xba: {  	s30 =	sld [smem:$0x0];
	_ =	sdelay $0x2  }
0xbb: {  	s31 =	sshll.u32 s1, $0xD;
	s1 =	sshrl.u32 s1, $0x2  }
0xbc: {  	s3 =	sand.u32 $0x4000, s31;
	s1 =	sadd.s32 s1, s30  }
0xbd: {  	s0 =	sor.u32 s3, s0;
	s1 =	sshll.u32 s1, $0x11  }
0xbe: {  	s0 =	sor.u32 s1, s0  }
0xbf: {  	s0 =	sadd.s32 $0x8F2B, s0  }
0xc0: {  	[sflag:s0] =	ssyncadd.remote.s32 $0x1  }
0xc1: {  	_ =	sfence.sel $0xFFFF  }
0xc2: {  	[dreg:$0x0] =	wrdreg $0xFFFFFFFF;
	(pc) =	sbr.abs _section_cstart, $3  }
0xc3: {  	[dreg:$0x1] =	wrdreg $0xFFFFFFFF  }
0xc4: {  	_ =	task.clear_ibuf [dreg:s9], $0x2FFFF;
	_ =	strace $0x9FFFFFFF  }
0xc5: {  	(tm) =	ssettm $0x7FFFFFFF  }
tec
execute0_lowered:
.L_overlay_start_1:
0x0: {  	(tag) =	ssettag $0x1  }
0x1: {  	s0 =	srdreg.scid  }
0x2: {  	s3 =	rddreg [dreg:$0x2];
	s1 =	stileid.u32;
	s0 =	sand.u32 $0x1, s0  }
0x3: {  	s28 =	rddreg [dreg:$0x1];
	s2 =	sshll.u32 s1, $0xA;
	s4 =	ssub.s32 $0x2, s0  }
0x4: {  	s1 =	simm.s32 $0x0;
	s0 =	sshll.u32 s0, $0x9;
	s5 =	sshrl.u32 s4, $0x1  }
0x5: {  	[smem:$0x7FF] =	sst s1;
	s2 =	sor.u32 s0, s2;
	s0 =	ssub.s32 s4, s5  }
0x6: {  	s24 =	sor.u32 $0x80, s2;
	s6 =	sor.u32 $0xA0, s2;
	s7 =	sor.u32 $0xC0, s2  }
0x7: {  	s8 =	sor.u32 $0xE0, s2;
	s9 =	sor.u32 $0x100, s2;
	s10 =	sor.u32 $0x120, s2  }
0x8: {  	s14 =	sor.u32 $0x140, s2;
	s15 =	sor.u32 $0x160, s2;
	[dreg:$0x4] =	wrdreg s24  }
0x9: {  	s16 =	sor.u32 $0x180, s2;
	s25 =	sshll.u32 s2, $0x4;
	[dreg:$0x5] =	wrdreg s6  }
0xa: {  	s17 =	sor.u32 $0x1A0, s2;
	s29 =	sor.u32 $0x1E0, s2;
	[dreg:$0x6] =	wrdreg s7  }
0xb: {  	s13 =	sadd.s32 s3, s25;
	s26 =	sshll.u32 s24, $0x4;
	[dreg:$0x7] =	wrdreg s8  }
0xc: {  	s5 =	sshll.u32 s6, $0x4;
	s6 =	sshll.u32 s7, $0x4;
	[dreg:$0x8] =	wrdreg s9  }
0xd: {  	s11 =	sshll.u32 s8, $0x4;
	s12 =	sshll.u32 s9, $0x4;
	[dreg:$0x9] =	wrdreg s10  }
0xe: {  	s18 =	sshll.u32 s10, $0x4;
	s20 =	sshll.u32 s14, $0x4;
	s21 =	sshll.u32 s15, $0x4  }
0xf: {  	s22 =	sshll.u32 s16, $0x4;
	s23 =	sshll.u32 s17, $0x4;
	s25 =	sshll.u32 s29, $0x4  }
0x10: {  	s4 =	sadd.s32 s3, s26;
	s7 =	sadd.s32 s3, s6;
	s19 =	sadd.s32 s3, s18  }
0x11: {  	s22 =	sadd.s32 s3, s22;
	s23 =	sadd.s32 s3, s23;
	s26 =	sor.u32 $0x1C0, s2  }
0x12: {  	s31 =	sadd.s32 s3, s25;
	s25 =	sadd.s32 $0x400, s13;
	[dreg:$0xa] =	wrdreg s4  }
0x13: {  	s6 =	simm.s32 $0x0;
	s4 =	sadd.s32 s3, s5;
	[dreg:$0xc] =	wrdreg s7  }
0x14: {  	[dreg:$0xf] =	wrdreg s19;
	s24 =	sshll.u32 s26, $0x4;
	s5 =	simm.s32 $0x1  }
0x15: {  	[dreg:$0xb] =	wrdreg s4;
	s4 =	sadd.s32 s3, s11;
	s11 =	smov.u32 s14  }
0x16: {  	s30 =	sadd.s32 s3, s24;
	s24 =	smax.u32 s0, $0x1;
	s0 =	sadd.s32 $0x200, s13  }
0x17: {  	s14 =	sadd.s32 $0x600, s13;
	[dreg:$0xd] =	wrdreg s4;
	s4 =	sadd.s32 s3, s12  }
.Ltmp0:
0x18: {  	s12 =	smov.u32 s16;
	s16 =	simm.s32 $0x20;
	(pc) =	sbr.rel .LBB2_1-.Ltmp0, $4  }
0x19: {  	[dreg:$0xe] =	wrdreg s4;
	s4 =	sadd.s32 s3, s20;
	s20 =	smov.u32 s15  }
0x1a: {  	s15 =	simm.s32 $0x2;
	[dreg:$0x10] =	wrdreg s4;
	s4 =	sadd.s32 s3, s21  }
0x1b: {  	s21 =	smov.u32 s17;
	s3 =	simm.s32 $0x1CF00;
	[dreg:$0x11] =	wrdreg s4  }
0x1c: {  	vm0 =	vmxor vm0, vm0;
	v0 =	vlaneseq.u32;
	v1 =	vimm.f32 $0.0e+00;
	s17 =	simm.s32 $0x1DF00;
	s4 =	simm.s32 $0x1EF00;
	_ =	strace $0x80000047  }
.LBB2_5:
0x1d: {  	v2 =	vld [tilespmem:s2+$0x18700];
	_ =	sdelay $0x7  }
0x1e: {  	v2 =	vld.idx.msk [tilespmem:v2+s1+$0x0], $0xffff;
	_ =	sdelay $0x4  }
0x1f: {  	[tilespmem:$0x1C700] =	vst v2  }
0x20: {  	v2 =	vld [tilespmem:s2+$0x18710];
	_ =	sdelay $0x7  }
0x21: {  	v2 =	vld.idx.msk [tilespmem:v2+s1+$0x0], $0xffff;
	_ =	sdelay $0x4  }
0x22: {  	[tilespmem:$0x1C710] =	vst v2  }
0x23: {  	v2 =	vld [tilespmem:s2+$0x18720];
	_ =	sdelay $0x7  }
0x24: {  	v2 =	vld.idx.msk [tilespmem:v2+s1+$0x0], $0xffff;
	_ =	sdelay $0x4  }
0x25: {  	[tilespmem:$0x1C780] =	vst v2  }
0x26: {  	v2 =	vld [tilespmem:s2+$0x18730];
	_ =	sdelay $0x7  }
0x27: {  	v2 =	vld.idx.msk [tilespmem:v2+s1+$0x0], $0xffff;
	_ =	sdelay $0x4  }
0x28: {  	[tilespmem:$0x1C790] =	vst v2  }
0x29: {  	v2 =	vld [tilespmem:s2+$0x18740];
	_ =	sdelay $0x7  }
0x2a: {  	v2 =	vld.idx.msk [tilespmem:v2+s1+$0x0], $0xffff;
	_ =	sdelay $0x4  }
0x2b: {  	[tilespmem:$0x1C800] =	vst v2  }
0x2c: {  	v2 =	vld [tilespmem:s2+$0x18750];
	_ =	sdelay $0x7  }
0x2d: {  	v2 =	vld.idx.msk [tilespmem:v2+s1+$0x0], $0xffff;
	_ =	sdelay $0x4  }
0x2e: {  	[tilespmem:$0x1C810] =	vst v2  }
0x2f: {  	v2 =	vld [tilespmem:s2+$0x18760];
	_ =	sdelay $0x7  }
0x30: {  	v2 =	vld.idx.msk [tilespmem:v2+s1+$0x0], $0xffff;
	_ =	sdelay $0x4  }
0x31: {  	[tilespmem:$0x1C880] =	vst v2  }
0x32: {  	v2 =	vld [tilespmem:s2+$0x18770];
	_ =	sdelay $0x7  }
0x33: {  	v2 =	vld.idx.msk [tilespmem:v2+s1+$0x0], $0xffff;
	_ =	sdelay $0x4  }
0x34: {  	s7 =	rddreg [dreg:$0x4];
	[tilespmem:$0x1C890] =	vst v2  }
0x35: {  	v2 =	vld [tilespmem:s7+$0x18700];
	_ =	sdelay $0x7  }
0x36: {  	v2 =	vld.idx.msk [tilespmem:v2+s1+$0x0], $0xffff;
	_ =	sdelay $0x4  }
0x37: {  	[tilespmem:$0x1C900] =	vst v2  }
0x38: {  	v2 =	vld [tilespmem:s2+$0x18790];
	_ =	sdelay $0x7  }
0x39: {  	v2 =	vld.idx.msk [tilespmem:v2+s1+$0x0], $0xffff;
	_ =	sdelay $0x4  }
0x3a: {  	s9 =	rddreg [dreg:$0x5];
	[tilespmem:$0x1C910] =	vst v2  }
0x3b: {  	v2 =	vld [tilespmem:s9+$0x18700];
	_ =	sdelay $0x7  }
0x3c: {  	v2 =	vld.idx.msk [tilespmem:v2+s1+$0x0], $0xffff;
	_ =	sdelay $0x4  }
0x3d: {  	[tilespmem:$0x1C980] =	vst v2  }
0x3e: {  	v2 =	vld [tilespmem:s2+$0x187B0];
	_ =	sdelay $0x7  }
0x3f: {  	v2 =	vld.idx.msk [tilespmem:v2+s1+$0x0], $0xffff;
	_ =	sdelay $0x4  }
0x40: {  	s10 =	rddreg [dreg:$0x6];
	[tilespmem:$0x1C990] =	vst v2  }
0x41: {  	v2 =	vld [tilespmem:s10+$0x18700];
	_ =	sdelay $0x7  }
0x42: {  	v2 =	vld.idx.msk [tilespmem:v2+s1+$0x0], $0xffff;
	_ =	sdelay $0x4  }
0x43: {  	[tilespmem:$0x1CA00] =	vst v2  }
0x44: {  	v2 =	vld [tilespmem:s2+$0x187D0];
	_ =	sdelay $0x7  }
0x45: {  	v2 =	vld.idx.msk [tilespmem:v2+s1+$0x0], $0xffff;
	_ =	sdelay $0x4  }
0x46: {  	s18 =	rddreg [dreg:$0x7];
	[tilespmem:$0x1CA10] =	vst v2  }
0x47: {  	v2 =	vld [tilespmem:s18+$0x18700];
	_ =	sdelay $0x7  }
0x48: {  	v2 =	vld.idx.msk [tilespmem:v2+s1+$0x0], $0xffff;
	_ =	sdelay $0x4  }
0x49: {  	[tilespmem:$0x1CA80] =	vst v2  }
0x4a: {  	v2 =	vld [tilespmem:s2+$0x187F0];
	_ =	sdelay $0x7  }
0x4b: {  	v2 =	vld.idx.msk [tilespmem:v2+s1+$0x0], $0xffff;
	_ =	sdelay $0x4  }
0x4c: {  	s19 =	rddreg [dreg:$0x8];
	[tilespmem:$0x1CA90] =	vst v2  }
0x4d: {  	v2 =	vld [tilespmem:s19+$0x18700];
	_ =	sdelay $0x7  }
0x4e: {  	v2 =	vld.idx.msk [tilespmem:v2+s1+$0x0], $0xffff;
	_ =	sdelay $0x4  }
0x4f: {  	[tilespmem:$0x1CB00] =	vst v2  }
0x50: {  	v2 =	vld [tilespmem:s2+$0x18810];
	_ =	sdelay $0x7  }
0x51: {  	v2 =	vld.idx.msk [tilespmem:v2+s1+$0x0], $0xffff;
	_ =	sdelay $0x4  }
0x52: {  	s8 =	rddreg [dreg:$0x9];
	[tilespmem:$0x1CB10] =	vst v2  }
0x53: {  	v2 =	vld [tilespmem:s8+$0x18700];
	_ =	sdelay $0x7  }
0x54: {  	v2 =	vld.idx.msk [tilespmem:v2+s1+$0x0], $0xffff;
	_ =	sdelay $0x4  }
0x55: {  	[tilespmem:$0x1CB80] =	vst v2  }
0x56: {  	v2 =	vld [tilespmem:s2+$0x18830];
	_ =	sdelay $0x7  }
0x57: {  	v2 =	vld.idx.msk [tilespmem:v2+s1+$0x0], $0xffff;
	_ =	sdelay $0x4  }
0x58: {  	[tilespmem:$0x1CB90] =	vst v2  }
0x59: {  	v2 =	vld [tilespmem:s11+$0x18700];
	_ =	sdelay $0x7  }
0x5a: {  	v2 =	vld.idx.msk [tilespmem:v2+s1+$0x0], $0xffff;
	_ =	sdelay $0x4  }
0x5b: {  	[tilespmem:$0x1CC00] =	vst v2  }
0x5c: {  	v2 =	vld [tilespmem:s2+$0x18850];
	_ =	sdelay $0x7  }
0x5d: {  	v2 =	vld.idx.msk [tilespmem:v2+s1+$0x0], $0xffff;
	_ =	sdelay $0x4  }
0x5e: {  	[tilespmem:$0x1CC10] =	vst v2  }
0x5f: {  	v2 =	vld [tilespmem:s20+$0x18700];
	_ =	sdelay $0x7  }
0x60: {  	v2 =	vld.idx.msk [tilespmem:v2+s1+$0x0], $0xffff;
	_ =	sdelay $0x4  }
0x61: {  	[tilespmem:$0x1CC80] =	vst v2  }
0x62: {  	v2 =	vld [tilespmem:s2+$0x18870];
	_ =	sdelay $0x7  }
0x63: {  	v2 =	vld.idx.msk [tilespmem:v2+s1+$0x0], $0xffff;
	_ =	sdelay $0x4  }
0x64: {  	[tilespmem:$0x1CC90] =	vst v2  }
0x65: {  	v2 =	vld [tilespmem:s12+$0x18700];
	_ =	sdelay $0x7  }
0x66: {  	v2 =	vld.idx.msk [tilespmem:v2+s1+$0x0], $0xffff;
	_ =	sdelay $0x4  }
0x67: {  	[tilespmem:$0x1CD00] =	vst v2  }
0x68: {  	v2 =	vld [tilespmem:s2+$0x18890];
	_ =	sdelay $0x7  }
0x69: {  	v2 =	vld.idx.msk [tilespmem:v2+s1+$0x0], $0xffff;
	_ =	sdelay $0x4  }
0x6a: {  	[tilespmem:$0x1CD10] =	vst v2  }
0x6b: {  	v2 =	vld [tilespmem:s21+$0x18700];
	_ =	sdelay $0x7  }
0x6c: {  	v2 =	vld.idx.msk [tilespmem:v2+s1+$0x0], $0xffff;
	_ =	sdelay $0x4  }
0x6d: {  	[tilespmem:$0x1CD80] =	vst v2  }
0x6e: {  	v2 =	vld [tilespmem:s2+$0x188B0];
	_ =	sdelay $0x7  }
0x6f: {  	v2 =	vld.idx.msk [tilespmem:v2+s1+$0x0], $0xffff;
	_ =	sdelay $0x4  }
0x70: {  	[tilespmem:$0x1CD90] =	vst v2  }
0x71: {  	v2 =	vld [tilespmem:s26+$0x18700];
	_ =	sdelay $0x7  }
0x72: {  	v2 =	vld.idx.msk [tilespmem:v2+s1+$0x0], $0xffff;
	_ =	sdelay $0x4  }
0x73: {  	[tilespmem:$0x1CE00] =	vst v2  }
0x74: {  	v2 =	vld [tilespmem:s2+$0x188D0];
	_ =	sdelay $0x7  }
0x75: {  	v2 =	vld.idx.msk [tilespmem:v2+s1+$0x0], $0xffff;
	_ =	sdelay $0x4  }
0x76: {  	[tilespmem:$0x1CE10] =	vst v2  }
0x77: {  	v2 =	vld [tilespmem:s29+$0x18700];
	_ =	sdelay $0x7  }
0x78: {  	v2 =	vld.idx.msk [tilespmem:v2+s1+$0x0], $0xffff;
	_ =	sdelay $0x4  }
0x79: {  	[tilespmem:$0x1CE80] =	vst v2  }
0x7a: {  	v2 =	vld [tilespmem:s2+$0x188F0];
	_ =	sdelay $0x7  }
0x7b: {  	v2 =	vld.idx.msk [tilespmem:v2+s1+$0x0], $0xffff;
	_ =	sdelay $0x4  }
0x7c: {  	s9 =	simm.s32 $0x1C700;
	[tilespmem:$0x1CE90] =	vst v2  }
0x7d: {  	[tilespmem:s3], [sflag:$0x1] =	stream.indirect.gather [hbm4b:s28+s16], $0x80, s9, s16, $0xb8;
	[tilespmem:$0x1FF00] =	vst v63  }
0x7e: {  	s10 =	simm.s32 $0x1C780  }
0x7f: {  	[tilespmem:s17], [sflag:$0x1] =	stream.indirect.gather [hbm4b:s28+s16], $0x80, s10, s16, $0xb8;
	[tilespmem:$0x1FF00] =	vst v63  }
0x80: {  	s18 =	simm.s32 $0x1C800  }
0x81: {  	[tilespmem:s4], [sflag:$0x1] =	stream.indirect.gather [hbm4b:s28+s16], $0x80, s18, s16, $0xb8;
	[tilespmem:$0x1FF00] =	vst v63  }
0x82: {  	_ =	swait.ge [sflag:s5], $0x1000  }
0x83: {  	[sflag:s5] =	ssyncset.done $0x0  }
0x84: {  	[sflag:s5] =	ssyncadd.s32 $0xFFFFF000  }
0x85: {  	[hbm4b:s13+s1] =	stream.linear.scatter [tilespmem:s3], [sflag:$0x2], $0x1000, $0x38;
	[tilespmem:$0x1FF00] =	vst v63  }
0x86: {  	_ =	swait.ge [sflag:s15], $0x1000  }
0x87: {  	[sflag:s15] =	ssyncset.done $0x0  }
0x88: {  	s19 =	simm.s32 $0x1C880;
	[sflag:s15] =	ssyncadd.s32 $0xFFFFF000  }
0x89: {  	[tilespmem:s3], [sflag:$0x1] =	stream.indirect.gather [hbm4b:s28+s16], $0x80, s19, s16, $0xb8;
	[tilespmem:$0x1FF00] =	vst v63  }
0x8a: {  	_ =	swait.ge [sflag:s5], $0x1000  }
0x8b: {  	[sflag:s5] =	ssyncset.done $0x0  }
0x8c: {  	[sflag:s5] =	ssyncadd.s32 $0xFFFFF000  }
0x8d: {  	[hbm4b:s0+s1] =	stream.linear.scatter [tilespmem:s17], [sflag:$0x2], $0x1000, $0x38;
	[tilespmem:$0x1FF00] =	vst v63  }
0x8e: {  	_ =	swait.ge [sflag:s15], $0x1000  }
0x8f: {  	[sflag:s15] =	ssyncset.done $0x0  }
0x90: {  	s8 =	simm.s32 $0x1C900;
	[sflag:s15] =	ssyncadd.s32 $0xFFFFF000  }
0x91: {  	[tilespmem:s17], [sflag:$0x1] =	stream.indirect.gather [hbm4b:s28+s16], $0x80, s8, s16, $0xb8;
	[tilespmem:$0x1FF00] =	vst v63  }
0x92: {  	_ =	swait.ge [sflag:s5], $0x1000  }
0x93: {  	[sflag:s5] =	ssyncset.done $0x0  }
0x94: {  	[sflag:s5] =	ssyncadd.s32 $0xFFFFF000  }
0x95: {  	[hbm4b:s25+s1] =	stream.linear.scatter [tilespmem:s4], [sflag:$0x2], $0x1000, $0x38;
	[tilespmem:$0x1FF00] =	vst v63  }
0x96: {  	_ =	swait.ge [sflag:s15], $0x1000  }
0x97: {  	[sflag:s15] =	ssyncset.done $0x0  }
0x98: {  	s9 =	simm.s32 $0x1C980;
	[sflag:s15] =	ssyncadd.s32 $0xFFFFF000  }
0x99: {  	[tilespmem:s4], [sflag:$0x1] =	stream.indirect.gather [hbm4b:s28+s16], $0x80, s9, s16, $0xb8;
	[tilespmem:$0x1FF00] =	vst v63  }
0x9a: {  	_ =	swait.ge [sflag:s5], $0x1000  }
0x9b: {  	[sflag:s5] =	ssyncset.done $0x0  }
0x9c: {  	[sflag:s5] =	ssyncadd.s32 $0xFFFFF000  }
0x9d: {  	[hbm4b:s14+s1] =	stream.linear.scatter [tilespmem:s3], [sflag:$0x2], $0x1000, $0x38;
	[tilespmem:$0x1FF00] =	vst v63  }
0x9e: {  	_ =	swait.ge [sflag:s15], $0x1000  }
0x9f: {  	[sflag:s15] =	ssyncset.done $0x0  }
0xa0: {  	s10 =	simm.s32 $0x1CA00;
	[sflag:s15] =	ssyncadd.s32 $0xFFFFF000  }
0xa1: {  	[tilespmem:s3], [sflag:$0x1] =	stream.indirect.gather [hbm4b:s28+s16], $0x80, s10, s16, $0xb8;
	[tilespmem:$0x1FF00] =	vst v63  }
0xa2: {  	_ =	swait.ge [sflag:s5], $0x1000  }
0xa3: {  	[sflag:s5] =	ssyncset.done $0x0  }
0xa4: {  	s18 =	rddreg [dreg:$0xa];
	[sflag:s5] =	ssyncadd.s32 $0xFFFFF000  }
0xa5: {  	[hbm4b:s18+s1] =	stream.linear.scatter [tilespmem:s17], [sflag:$0x2], $0x1000, $0x38;
	[tilespmem:$0x1FF00] =	vst v63  }
0xa6: {  	_ =	swait.ge [sflag:s15], $0x1000  }
0xa7: {  	[sflag:s15] =	ssyncset.done $0x0  }
0xa8: {  	s19 =	simm.s32 $0x1CA80;
	[sflag:s15] =	ssyncadd.s32 $0xFFFFF000  }
0xa9: {  	[tilespmem:s17], [sflag:$0x1] =	stream.indirect.gather [hbm4b:s28+s16], $0x80, s19, s16, $0xb8;
	[tilespmem:$0x1FF00] =	vst v63  }
0xaa: {  	_ =	swait.ge [sflag:s5], $0x1000  }
0xab: {  	[sflag:s5] =	ssyncset.done $0x0  }
0xac: {  	s8 =	rddreg [dreg:$0xb];
	[sflag:s5] =	ssyncadd.s32 $0xFFFFF000  }
0xad: {  	[hbm4b:s8+s1] =	stream.linear.scatter [tilespmem:s4], [sflag:$0x2], $0x1000, $0x38;
	[tilespmem:$0x1FF00] =	vst v63  }
0xae: {  	_ =	swait.ge [sflag:s15], $0x1000  }
0xaf: {  	[sflag:s15] =	ssyncset.done $0x0  }
0xb0: {  	s9 =	simm.s32 $0x1CB00;
	[sflag:s15] =	ssyncadd.s32 $0xFFFFF000  }
0xb1: {  	[tilespmem:s4], [sflag:$0x1] =	stream.indirect.gather [hbm4b:s28+s16], $0x80, s9, s16, $0xb8;
	[tilespmem:$0x1FF00] =	vst v63  }
0xb2: {  	_ =	swait.ge [sflag:s5], $0x1000  }
0xb3: {  	[sflag:s5] =	ssyncset.done $0x0  }
0xb4: {  	s10 =	rddreg [dreg:$0xc];
	[sflag:s5] =	ssyncadd.s32 $0xFFFFF000  }
0xb5: {  	[hbm4b:s10+s1] =	stream.linear.scatter [tilespmem:s3], [sflag:$0x2], $0x1000, $0x38;
	[tilespmem:$0x1FF00] =	vst v63  }
0xb6: {  	_ =	swait.ge [sflag:s15], $0x1000  }
0xb7: {  	[sflag:s15] =	ssyncset.done $0x0  }
0xb8: {  	s18 =	simm.s32 $0x1CB80;
	[sflag:s15] =	ssyncadd.s32 $0xFFFFF000  }
0xb9: {  	[tilespmem:s3], [sflag:$0x1] =	stream.indirect.gather [hbm4b:s28+s16], $0x80, s18, s16, $0xb8;
	[tilespmem:$0x1FF00] =	vst v63  }
0xba: {  	_ =	swait.ge [sflag:s5], $0x1000  }
0xbb: {  	[sflag:s5] =	ssyncset.done $0x0  }
0xbc: {  	s19 =	rddreg [dreg:$0xd];
	[sflag:s5] =	ssyncadd.s32 $0xFFFFF000  }
0xbd: {  	[hbm4b:s19+s1] =	stream.linear.scatter [tilespmem:s17], [sflag:$0x2], $0x1000, $0x38;
	[tilespmem:$0x1FF00] =	vst v63  }
0xbe: {  	_ =	swait.ge [sflag:s15], $0x1000  }
0xbf: {  	[sflag:s15] =	ssyncset.done $0x0  }
0xc0: {  	s8 =	simm.s32 $0x1CC00;
	[sflag:s15] =	ssyncadd.s32 $0xFFFFF000  }
0xc1: {  	[tilespmem:s17], [sflag:$0x1] =	stream.indirect.gather [hbm4b:s28+s16], $0x80, s8, s16, $0xb8;
	[tilespmem:$0x1FF00] =	vst v63  }
0xc2: {  	_ =	swait.ge [sflag:s5], $0x1000  }
0xc3: {  	[sflag:s5] =	ssyncset.done $0x0  }
0xc4: {  	s9 =	rddreg [dreg:$0xe];
	[sflag:s5] =	ssyncadd.s32 $0xFFFFF000  }
0xc5: {  	[hbm4b:s9+s1] =	stream.linear.scatter [tilespmem:s4], [sflag:$0x2], $0x1000, $0x38;
	[tilespmem:$0x1FF00] =	vst v63  }
0xc6: {  	_ =	swait.ge [sflag:s15], $0x1000  }
0xc7: {  	[sflag:s15] =	ssyncset.done $0x0  }
0xc8: {  	s10 =	simm.s32 $0x1CC80;
	[sflag:s15] =	ssyncadd.s32 $0xFFFFF000  }
0xc9: {  	[tilespmem:s4], [sflag:$0x1] =	stream.indirect.gather [hbm4b:s28+s16], $0x80, s10, s16, $0xb8;
	[tilespmem:$0x1FF00] =	vst v63  }
0xca: {  	_ =	swait.ge [sflag:s5], $0x1000  }
0xcb: {  	[sflag:s5] =	ssyncset.done $0x0  }
0xcc: {  	s18 =	rddreg [dreg:$0xf];
	[sflag:s5] =	ssyncadd.s32 $0xFFFFF000  }
0xcd: {  	[hbm4b:s18+s1] =	stream.linear.scatter [tilespmem:s3], [sflag:$0x2], $0x1000, $0x38;
	[tilespmem:$0x1FF00] =	vst v63  }
0xce: {  	_ =	swait.ge [sflag:s15], $0x1000  }
0xcf: {  	[sflag:s15] =	ssyncset.done $0x0  }
0xd0: {  	s19 =	simm.s32 $0x1CD00;
	[sflag:s15] =	ssyncadd.s32 $0xFFFFF000  }
0xd1: {  	[tilespmem:s3], [sflag:$0x1] =	stream.indirect.gather [hbm4b:s28+s16], $0x80, s19, s16, $0xb8;
	[tilespmem:$0x1FF00] =	vst v63  }
0xd2: {  	_ =	swait.ge [sflag:s5], $0x1000  }
0xd3: {  	[sflag:s5] =	ssyncset.done $0x0  }
0xd4: {  	s8 =	rddreg [dreg:$0x10];
	[sflag:s5] =	ssyncadd.s32 $0xFFFFF000  }
0xd5: {  	[hbm4b:s8+s1] =	stream.linear.scatter [tilespmem:s17], [sflag:$0x2], $0x1000, $0x38;
	[tilespmem:$0x1FF00] =	vst v63  }
0xd6: {  	_ =	swait.ge [sflag:s15], $0x1000  }
0xd7: {  	[sflag:s15] =	ssyncset.done $0x0  }
0xd8: {  	s9 =	simm.s32 $0x1CD80;
	[sflag:s15] =	ssyncadd.s32 $0xFFFFF000  }
0xd9: {  	[tilespmem:s17], [sflag:$0x1] =	stream.indirect.gather [hbm4b:s28+s16], $0x80, s9, s16, $0xb8;
	[tilespmem:$0x1FF00] =	vst v63  }
0xda: {  	_ =	swait.ge [sflag:s5], $0x1000  }
0xdb: {  	[sflag:s5] =	ssyncset.done $0x0  }
0xdc: {  	s10 =	rddreg [dreg:$0x11];
	[sflag:s5] =	ssyncadd.s32 $0xFFFFF000  }
0xdd: {  	[hbm4b:s10+s1] =	stream.linear.scatter [tilespmem:s4], [sflag:$0x2], $0x1000, $0x38;
	[tilespmem:$0x1FF00] =	vst v63  }
0xde: {  	_ =	swait.ge [sflag:s15], $0x1000  }
0xdf: {  	[sflag:s15] =	ssyncset.done $0x0  }
0xe0: {  	s18 =	simm.s32 $0x1CE00;
	[sflag:s15] =	ssyncadd.s32 $0xFFFFF000  }
0xe1: {  	[tilespmem:s4], [sflag:$0x1] =	stream.indirect.gather [hbm4b:s28+s16], $0x80, s18, s16, $0xb8;
	[tilespmem:$0x1FF00] =	vst v63  }
0xe2: {  	_ =	swait.ge [sflag:s5], $0x1000  }
0xe3: {  	[sflag:s5] =	ssyncset.done $0x0  }
0xe4: {  	[sflag:s5] =	ssyncadd.s32 $0xFFFFF000  }
0xe5: {  	[hbm4b:s22+s1] =	stream.linear.scatter [tilespmem:s3], [sflag:$0x2], $0x1000, $0x38;
	[tilespmem:$0x1FF00] =	vst v63  }
0xe6: {  	_ =	swait.ge [sflag:s15], $0x1000  }
0xe7: {  	[sflag:s15] =	ssyncset.done $0x0  }
0xe8: {  	s19 =	simm.s32 $0x1CE80;
	[sflag:s15] =	ssyncadd.s32 $0xFFFFF000  }
0xe9: {  	[tilespmem:s3], [sflag:$0x1] =	stream.indirect.gather [hbm4b:s28+s16], $0x80, s19, s16, $0xb8;
	[tilespmem:$0x1FF00] =	vst v63  }
0xea: {  	_ =	swait.ge [sflag:s5], $0x1000  }
0xeb: {  	[sflag:s5] =	ssyncset.done $0x0  }
0xec: {  	[sflag:s5] =	ssyncadd.s32 $0xFFFFF000  }
0xed: {  	[hbm4b:s23+s1] =	stream.linear.scatter [tilespmem:s17], [sflag:$0x2], $0x1000, $0x38;
	[tilespmem:$0x1FF00] =	vst v63  }
0xee: {  	_ =	swait.ge [sflag:s15], $0x1000  }
0xef: {  	[sflag:s15] =	ssyncset.done $0x0  }
0xf0: {  	[sflag:s15] =	ssyncadd.s32 $0xFFFFF000  }
0xf1: {  	_ =	swait.ge [sflag:s5], $0x1000  }
0xf2: {  	[sflag:s5] =	ssyncset.done $0x0  }
0xf3: {  	[sflag:s5] =	ssyncadd.s32 $0xFFFFF000  }
0xf4: {  	[hbm4b:s30+s1] =	stream.linear.scatter [tilespmem:s4], [sflag:$0x2], $0x1000, $0x38;
	[tilespmem:$0x1FF00] =	vst v63  }
0xf5: {  	_ =	swait.ge [sflag:s15], $0x1000  }
0xf6: {  	[sflag:s15] =	ssyncset.done $0x0  }
0xf7: {  	[sflag:s15] =	ssyncadd.s32 $0xFFFFF000  }
0xf8: {  	s6 =	sadd.s32 $0x1, s6;
	_ =	swait.ge [sflag:s5], $0x1000  }
0xf9: {  	p0 =	sne.s32 s6, s24;
	[sflag:s5] =	ssyncset.done $0x0  }
.Ltmp1:
0xfa: {  	[sflag:s5] =	ssyncadd.s32 $0xFFFFF000;
	(pc) =	sbr.rel @!p0 .LBB2_6-.Ltmp1, $4  }
0xfb: {  	[hbm4b:s31+s1] =	stream.linear.scatter [tilespmem:s3], [sflag:$0x2], $0x1000, $0x38;
	[tilespmem:$0x1FF00] =	vst v63  }
0xfc: {  	_ =	swait.ge [sflag:s15], $0x1000  }
0xfd: {  	[sflag:s15] =	ssyncset.done $0x0  }
0xfe: {  	[sflag:s15] =	ssyncadd.s32 $0xFFFFF000  }
.LBB2_1:
0xff: {  	s7 =	rddreg [dreg:$0x0];
	s8 =	simm.s32 $0x18700  }
0x100: {  	[tilespmem:s8], [sflag:$0x2] =	stream.linear.gather [hbm4b:s7+s1], $0x4000, $0x38;
	[tilespmem:$0x1FF00] =	vst v63  }
0x101: {  	_ =	swait.ge [sflag:s15], $0x4000  }
0x102: {  	[sflag:s15] =	ssyncset.done $0x0  }
0x103: {  	s10 =	simm.s32 $0x18740;
	[sflag:s15] =	ssyncadd.s32 $0xFFFFC000  }
0x104: {  	v4 =	vld [tilespmem:s10+$0xFFFFFFC0]  }
0x105: {  	v6 =	vld [tilespmem:s10+$0xFFFFFFD0]  }
0x106: {  	v10 =	vld [tilespmem:s10+$0xFFFFFFE0]  }
0x107: {  	v9 =	vld [tilespmem:s10+$0xFFFFFFF0]  }
0x108: {  	v11 =	vld [tilespmem:s10+$0x0]  }
0x109: {  	v12 =	vld [tilespmem:s10+$0x10]  }
0x10a: {  	s18 =	simm.s32 $0x0;
	v13 =	vld [tilespmem:s10+$0x20]  }
0x10b: {  	s19 =	simm.s32 $0x10;
	v2 =	vor.u32 s18, v0;
	v14 =	vld [tilespmem:s10+$0x30]  }
0x10c: {  	s18 =	simm.s32 $0x20;
	v3 =	vor.u32 s19, v0;
	[tilespmem:v4+s1+$0x0] =	vst.idx.msk $0xffff, v2  }
0x10d: {  	s19 =	simm.s32 $0x30;
	v15 =	vor.u32 s18, v0;
	[tilespmem:v6+s1+$0x0] =	vst.idx.msk $0xffff, v3  }
0x10e: {  	s8 =	simm.s32 $0x40;
	v7 =	vor.u32 s19, v0;
	[tilespmem:v10+s1+$0x0] =	vst.idx.msk $0xffff, v15  }
0x10f: {  	s9 =	simm.s32 $0x50;
	v5 =	vor.u32 s8, v0;
	[tilespmem:v9+s1+$0x0] =	vst.idx.msk $0xffff, v7  }
0x110: {  	v8 =	vor.u32 s9, v0;
	s10 =	simm.s32 $0x60;
	[tilespmem:v11+s1+$0x0] =	vst.idx.msk $0xffff, v5  }
0x111: {  	s19 =	simm.s32 $0x70;
	v16 =	vor.u32 s10, v0;
	[tilespmem:v12+s1+$0x0] =	vst.idx.msk $0xffff, v8  }
0x112: {  	v17 =	vor.u32 s19, v0;
	[tilespmem:v13+s1+$0x0] =	vst.idx.msk $0xffff, v16  }
0x113: {  	[tilespmem:v14+s1+$0x0] =	vst.idx.msk $0xffff, v17  }
0x114: {  	v14 =	vld.idx.msk [tilespmem:v14+s1+$0x0], $0xffff  }
0x115: {  	v9 =	vld.idx.msk [tilespmem:v9+s1+$0x0], $0xffff  }
0x116: {  	v18 =	vld.idx.msk [tilespmem:v13+s1+$0x0], $0xffff  }
0x117: {  	v19 =	vld.idx.msk [tilespmem:v10+s1+$0x0], $0xffff  }
0x118: {  	v13 =	vld.idx.msk [tilespmem:v12+s1+$0x0], $0xffff  }
0x119: {  	v12 =	vld.idx.msk [tilespmem:v11+s1+$0x0], $0xffff  }
0x11a: {  	v11 =	vld.idx.msk [tilespmem:v6+s1+$0x0], $0xffff  }
0x11b: {  	s7 =	simm.s32 $0x187C0;
	v10 =	vld.idx.msk [tilespmem:v4+s1+$0x0], $0xffff  }
0x11c: {  	v4 =	vld [tilespmem:s7+$0xFFFFFFC0];
	vm1 =	vgt.s32 v17, v14;
	vm2 =	vgt.s32 v16, v18  }
0x11d: {  	s18 =	simm.s32 $0xF0;
	s19 =	simm.s32 $0x170;
	v6 =	vld [tilespmem:s7+$0xFFFFFFD0];
	vm3 =	vgt.s32 v15, v19;
	vm2 =	vmor vm2, vm1;
	vm1 =	vmmov vm0  }
.LBB2_2:
0x11e: {  	p0 =	sne.s32 s19, $0x3FF0;
	v14 =	vld [tilespmem:s7+$0xFFFFFFE0];
	vm4 =	vgt.s32 v7, v9;
	vm5 =	vgt.s32 v8, v13;
	s8 =	smov.u32 s19;
	s19 =	sadd.s32 $0x80, s19  }
0x11f: {  	vm6 =	vgt.s32 v5, v12;
	v9 =	vld [tilespmem:s7+$0xFFFFFFF0]  }
0x120: {  	vm7 =	vgt.s32 v3, v11;
	vm3 =	vmor vm3, vm4;
	vm4 =	vmor vm6, vm5;
	v12 =	vld [tilespmem:s7+$0x0]  }
0x121: {  	vm5 =	vgt.s32 v2, v10;
	vm2 =	vmor vm4, vm2;
	v11 =	vld [tilespmem:s7+$0x10]  }
0x122: {  	s9 =	sadd.s32 $0xFFFFFF90, s18;
	vm4 =	vmor vm5, vm7;
	v10 =	vld [tilespmem:s7+$0x20]  }
0x123: {  	s10 =	sadd.s32 $0xFFFFFFA0, s18;
	v2 =	vor.u32 s9, v0;
	vm3 =	vmor vm4, vm3;
	v13 =	vld [tilespmem:s7+$0x30]  }
0x124: {  	v3 =	vor.u32 s10, v0;
	s9 =	sadd.s32 $0xFFFFFFB0, s18;
	vm2 =	vmor vm3, vm2;
	[tilespmem:v4+s1+$0x0] =	vst.idx.msk $0xffff, v2  }
0x125: {  	s10 =	sadd.s32 $0xFFFFFFC0, s18;
	v15 =	vor.u32 s9, v0;
	vm1 =	vmor vm1, vm2;
	[tilespmem:v6+s1+$0x0] =	vst.idx.msk $0xffff, v3  }
0x126: {  	v7 =	vor.u32 s10, v0;
	s9 =	sadd.s32 $0xFFFFFFD0, s18;
	[tilespmem:v14+s1+$0x0] =	vst.idx.msk $0xffff, v15  }
0x127: {  	s10 =	sadd.s32 $0xFFFFFFE0, s18;
	v5 =	vor.u32 s9, v0;
	[tilespmem:v9+s1+$0x0] =	vst.idx.msk $0xffff, v7  }
0x128: {  	v8 =	vor.u32 s10, v0;
	s9 =	sadd.s32 $0xFFFFFFF0, s18;
	[tilespmem:v12+s1+$0x0] =	vst.idx.msk $0xffff, v5  }
0x129: {  	v16 =	vor.u32 s9, v0;
	[tilespmem:v11+s1+$0x0] =	vst.idx.msk $0xffff, v8  }
0x12a: {  	v17 =	vor.u32 s18, v0;
	s18 =	smov.u32 s8;
	[tilespmem:v10+s1+$0x0] =	vst.idx.msk $0xffff, v16  }
0x12b: {  	[tilespmem:v13+s1+$0x0] =	vst.idx.msk $0xffff, v17  }
0x12c: {  	v18 =	vld.idx.msk [tilespmem:v13+s1+$0x0], $0xffff  }
0x12d: {  	v9 =	vld.idx.msk [tilespmem:v9+s1+$0x0], $0xffff  }
0x12e: {  	v19 =	vld.idx.msk [tilespmem:v10+s1+$0x0], $0xffff  }
0x12f: {  	v14 =	vld.idx.msk [tilespmem:v14+s1+$0x0], $0xffff  }
0x130: {  	v13 =	vld.idx.msk [tilespmem:v11+s1+$0x0], $0xffff  }
.Ltmp2:
0x131: {  	v12 =	vld.idx.msk [tilespmem:v12+s1+$0x0], $0xffff;
	(pc) =	sbr.rel @p0 .LBB2_2-.Ltmp2, $4  }
0x132: {  	vm2 =	vgt.s32 v17, v18;
	v11 =	vld.idx.msk [tilespmem:v6+s1+$0x0], $0xffff  }
0x133: {  	s7 =	sadd.s32 $0x80, s7;
	v10 =	vld.idx.msk [tilespmem:v4+s1+$0x0], $0xffff  }
0x134: {  	vm4 =	vgt.s32 v16, v19;
	v4 =	vld [tilespmem:s7+$0xFFFFFFC0]  }
0x135: {  	vm3 =	vgt.s32 v15, v14;
	vm2 =	vmor vm4, vm2;
	v6 =	vld [tilespmem:s7+$0xFFFFFFD0]  }
0x136: {  	_ = 	snop  }
0x137: {  	v14 =	vld [tilespmem:s7+$0xFFFFFFE0]  }
0x138: {  	v15 =	vld [tilespmem:s7+$0xFFFFFFF0]  }
0x139: {  	v16 =	vld [tilespmem:s7+$0x0]  }
0x13a: {  	v17 =	vld [tilespmem:s7+$0x10]  }
0x13b: {  	s8 =	sadd.s32 $0xFFFFFF90, s18;
	v18 =	vld [tilespmem:s7+$0x20]  }
0x13c: {  	s9 =	sadd.s32 $0xFFFFFFA0, s18;
	v19 =	vld [tilespmem:s7+$0x30];
	v20 =	vor.u32 s8, v0  }
0x13d: {  	s8 =	sadd.s32 $0xFFFFFFB0, s18;
	v21 =	vor.u32 s9, v0;
	[tilespmem:v4+s1+$0x0] =	vst.idx.msk $0xffff, v20  }
0x13e: {  	s10 =	sadd.s32 $0xFFFFFFC0, s18;
	v22 =	vor.u32 s8, v0;
	[tilespmem:v6+s1+$0x0] =	vst.idx.msk $0xffff, v21  }
0x13f: {  	s19 =	sadd.s32 $0xFFFFFFD0, s18;
	v23 =	vor.u32 s10, v0;
	[tilespmem:v14+s1+$0x0] =	vst.idx.msk $0xffff, v22  }
0x140: {  	s9 =	sadd.s32 $0xFFFFFFE0, s18;
	v24 =	vor.u32 s19, v0;
	[tilespmem:v15+s1+$0x0] =	vst.idx.msk $0xffff, v23  }
0x141: {  	s10 =	sadd.s32 $0xFFFFFFF0, s18;
	v25 =	vor.u32 s9, v0;
	[tilespmem:v16+s1+$0x0] =	vst.idx.msk $0xffff, v24  }
0x142: {  	v26 =	vor.u32 s10, v0;
	[tilespmem:v17+s1+$0x0] =	vst.idx.msk $0xffff, v25  }
0x143: {  	v27 =	vor.u32 s18, v0;
	[tilespmem:v18+s1+$0x0] =	vst.idx.msk $0xffff, v26  }
0x144: {  	[tilespmem:v19+s1+$0x0] =	vst.idx.msk $0xffff, v27  }
0x145: {  	v19 =	vld.idx.msk [tilespmem:v19+s1+$0x0], $0xffff  }
0x146: {  	v15 =	vld.idx.msk [tilespmem:v15+s1+$0x0], $0xffff  }
0x147: {  	v18 =	vld.idx.msk [tilespmem:v18+s1+$0x0], $0xffff  }
0x148: {  	v14 =	vld.idx.msk [tilespmem:v14+s1+$0x0], $0xffff  }
0x149: {  	v17 =	vld.idx.msk [tilespmem:v17+s1+$0x0], $0xffff  }
0x14a: {  	v16 =	vld.idx.msk [tilespmem:v16+s1+$0x0], $0xffff  }
0x14b: {  	vm4 =	vgt.s32 v7, v9;
	vm5 =	vgt.s32 v8, v13;
	v6 =	vld.idx.msk [tilespmem:v6+s1+$0x0], $0xffff  }
0x14c: {  	vm6 =	vgt.s32 v5, v12;
	vm7 =	vgt.s32 v3, v11;
	vm8 =	vgt.s32 v2, v10;
	v2 =	vld.idx.msk [tilespmem:v4+s1+$0x0], $0xffff  }
0x14d: {  	vm3 =	vmor vm3, vm4;
	vm4 =	vmor vm6, vm5;
	vm5 =	vmor vm8, vm7  }
0x14e: {  	vm2 =	vmor vm4, vm2;
	vm3 =	vmor vm5, vm3  }
0x14f: {  	vm4 =	vgt.s32 v27, v19;
	vm5 =	vgt.s32 v26, v18;
	vm15 =	vgt.s32 v22, v14  }
0x150: {  	vm12 =	vgt.s32 v25, v17;
	vm13 =	vgt.s32 v24, v16;
	vm9 =	vgt.s32 v21, v6  }
0x151: {  	vm10 =	vgt.s32 v20, v2;
	vm4 =	vmor vm5, vm4;
	vm5 =	vgt.s32 v23, v15  }
0x152: {  	vm14 =	vmor vm13, vm12;
	vm5 =	vmor vm15, vm5;
	vm15 =	vmor vm10, vm9  }
0x153: {  	vm2 =	vmor vm3, vm2;
	vm3 =	vmor vm14, vm4;
	vm4 =	vmor vm15, vm5  }
0x154: {  	vm1 =	vmor vm1, vm2;
	vm2 =	vmor vm4, vm3  }
0x155: {  	vm1 =	vmor vm1, vm2  }
0x156: {  	v2 =	vsel vm1, $0x3F800000, v1  }
0x157: {  	(xrf0) =	vmax.scan.msk.f32 $0xffff, v2;
	_ =	sdelay $0x5  }
0x158: {  	v2, _, _ =	vpop (xrf0)  }
0x159: {  	(v2sf) =	vpush v2, $0xF;
	_ =	sdelay $0xe  }
0x15a: {  	s19 =	spop (v2sf)  }
0x15b: {  	p0 =	sgt.f32 s19, $0.0e+00  }
.Ltmp3:
0x15c: {  	_ = 	snop;
	(pc) =	sbr.rel @!p0 .LBB2_5-.Ltmp3, $2  }
0x15d: {  	_ =	sdelay $0x2  }
0x15e: {  	s7 =	simm.s32 $0x0;
	vm3 =	vmmov vm0  }
.LBB2_4:
0x15f: {  	s8 =	sshll.u32 s7, $0x7  }
0x160: {  	s9 =	sand.u32 $0x3FFFFF80, s8  }
0x161: {  	v2 =	vld [tilespmem:s9+$0x18770]  }
0x162: {  	v3 =	vld [tilespmem:s9+$0x18760]  }
0x163: {  	v4 =	vld [tilespmem:s9+$0x18750]  }
0x164: {  	v5 =	vld [tilespmem:s9+$0x18740]  }
0x165: {  	v6 =	vld [tilespmem:s9+$0x18730]  }
0x166: {  	v7 =	vld [tilespmem:s9+$0x18720]  }
0x167: {  	v8 =	vld [tilespmem:s9+$0x18710]  }
0x168: {  	v9 =	vld [tilespmem:s9+$0x18700]  }
0x169: {  	v10 =	vld.idx.msk [tilespmem:v2+s1+$0x0], $0xffff  }
0x16a: {  	v11 =	vld.idx.msk [tilespmem:v3+s1+$0x0], $0xffff  }
0x16b: {  	v12 =	vld.idx.msk [tilespmem:v4+s1+$0x0], $0xffff  }
0x16c: {  	s18 =	sor.u32 $0x70, s8;
	v13 =	vld.idx.msk [tilespmem:v5+s1+$0x0], $0xffff  }
0x16d: {  	s10 =	sor.u32 $0x60, s8;
	v14 =	vor.u32 s18, v0;
	v15 =	vld.idx.msk [tilespmem:v6+s1+$0x0], $0xffff  }
0x16e: {  	s19 =	sor.u32 $0x50, s8;
	v16 =	vor.u32 s10, v0;
	v17 =	vld.idx.msk [tilespmem:v7+s1+$0x0], $0xffff;
	vm1 =	vgt.s32 v14, v10  }
0x16f: {  	s18 =	sor.u32 $0x40, s8;
	v58 =	vor.u32 s19, v0;
	v18 =	vld.idx.msk [tilespmem:v8+s1+$0x0], $0xffff;
	vm2 =	vgt.s32 v16, v11;
	vm4 =	vmor vm1, vm3  }
0x170: {  	s19 =	sor.u32 $0x30, s8;
	v59 =	vor.u32 s18, v0;
	v19 =	vld.idx.msk [tilespmem:v9+s1+$0x0], $0xffff;
	vm3 =	vgt.s32 v58, v12;
	vm4 =	vmor vm4, vm2  }
0x171: {  	s18 =	sor.u32 $0x20, s8;
	v60 =	vor.u32 s19, v0;
	vm5 =	vgt.s32 v59, v13;
	vm4 =	vmor vm4, vm3  }
0x172: {  	s19 =	sor.u32 $0x10, s8;
	v61 =	vor.u32 s18, v0;
	vm6 =	vgt.s32 v60, v15;
	vm4 =	vmor vm4, vm5  }
0x173: {  	v62 =	vor.u32 s19, v0;
	vm7 =	vgt.s32 v61, v17;
	vm4 =	vmor vm4, vm6  }
0x174: {  	s7 =	sadd.s32 $0x1, s7;
	v63 =	vor.u32 s8, v0;
	vm8 =	vgt.s32 v62, v18;
	vm4 =	vmor vm4, vm7  }
0x175: {  	p0 =	sne.s32 s7, $0x80;
	vm9 =	vgt.s32 v63, v19;
	vm4 =	vmor vm4, vm8  }
0x176: {  	v18 =	vimm.f32 @!p0 $0.0e+00;
	vm4 =	vmor vm4, vm9  }
0x177: {  	v18 =	vsel @!p0 vm4, $0x3F800000, v18  }
0x178: {  	(xrf0) =	vmax.scan.msk.f32 @!p0 $0xffff, v18;
	_ =	sdelay $0x5  }
0x179: {  	v18, _, _ =	vpop @!p0 (xrf0)  }
0x17a: {  	(v2sf) =	vpush @!p0 v18, $0xF;
	_ =	sdelay $0xe  }
0x17b: {  	s8 =	spop @!p0 (v2sf)  }
0x17c: {  	[tilespmem:v9+s1+$0x0] =	vst.idx.msk vm9, v63;
	p1 =	sgt.f32 @!p0 s8, $0.0e+00  }
0x17d: {  	[tilespmem:v8+s1+$0x0] =	vst.idx.msk vm8, v62  }
0x17e: {  	[tilespmem:v7+s1+$0x0] =	vst.idx.msk vm7, v61;
	p1 =	por p0, p1  }
.Ltmp4:
0x17f: {  	[tilespmem:v6+s1+$0x0] =	vst.idx.msk vm6, v60;
	(pc) =	sbr.rel @p1 .LBB2_4-.Ltmp4, $4  }
0x180: {  	[tilespmem:v5+s1+$0x0] =	vst.idx.msk vm5, v59  }
0x181: {  	[tilespmem:v4+s1+$0x0] =	vst.idx.msk vm3, v58  }
0x182: {  	vm3 =	vmxor @!p0 vm3, vm3;
	[tilespmem:v3+s1+$0x0] =	vst.idx.msk vm2, v16  }
0x183: {  	s7 =	simm.s32 @!p0 $0x0;
	vm3 =	vmmov @p0 vm4;
	[tilespmem:v2+s1+$0x0] =	vst.idx.msk vm1, v14  }
.Ltmp5:
0x184: {  	_ = 	snop;
	(pc) =	sbr.rel .LBB2_5-.Ltmp5, $1  }
0x185: {  	_ =	sdelay $0x3  }
.LBB2_6:
0x186: {  	_ =	sfence.sel $0x180000  }
0x187: {  	[bflag:$0x0] =	sbarrier.arrive $0xFFFF  }
0x188: {  	_ =	strace $0x90000047  }
0x189: {  	s0 =	stileid.u32;
	[bflag:$0x2] =	sbarrier.arrive $0xFFFF  }
0x18a: {  	p0 =	sne.s32 s0, $0x0;
	s0 =	rddreg [dreg:$0x3]  }
0x18b: {  	s0 =	sadd.s32 @!p0 $0x100000, s0  }
0x18c: {  	[sflag:s0] =	ssyncadd.tile.s32 @!p0 $0x1;
	_ =	shalt  }
.Lfunc_end2:
_tile_overlayer_lowered:
.L_overlay_start_2:
0x18d: {  	(tag) =	ssettag $0x2  }
0x18e: {  	s0 =	rddreg [dreg:$0x0];
	s2 =	stileid.u32  }
0x18f: {  	s1 =	rddreg [dreg:$0x1];
	p0 =	sne.s32 s2, $0x0  }
0x190: {  	s3 =	rddreg [dreg:$0x2];
	[bflag:$0x3] =	sbarrier.arrive $0xFFFF;
	s2 =	simm.s32 @!p0 $0x1C02  }
0x191: {  	[timem:s3], [sflag:s2] =	dma.local @!p0 [hbm:s0], s1  }
0x192: {  	s0 =	simm.s32 @!p0 $0x2  }
0x193: {  	_ =	swait.ge @!p0 [sflag:s0], s1  }
0x194: {  	s1 =	ssub.s32 @!p0 $0x0, s1;
	[sflag:s0] =	ssyncset.done @!p0 $0x0  }
0x195: {  	[sflag:s0] =	ssyncadd.s32 @!p0 s1  }
0x196: {  	[bflag:$0x3] =	sbarrier.arrive $0xFFFF  }
0x197: {  	_ =	shalt  }

</sc_bundles>
